<compile_context>
chip_gen: v7x
topology: tpu7x:2x2x1
jax: 0.10.2.dev20260603
libtpu: 0.0.44.dev20260713+nightly
codegen_flags: <defaults>
</compile_context>

<pallas_src>
import functools

import jax
import jax.numpy as jnp
from jax import lax
from jax.experimental import pallas as pl
from jax.experimental.pallas import tpu as pltpu
from jax.experimental.pallas import tpu_sc as plsc

MAX_SEQ_LENGTH = 200
MAX_NORM = 2.0
D = 32
SEQ = 150
P = SEQ + 2
TAB = 96
HID1 = 512
HID2 = 256

DW2 = 16
NC, NS = 2, 16
NW = NC * NS
CH = 128


def _renorm_body(c_ref, o_ref):
    x = c_ref[:]
    n = jnp.sqrt(jnp.sum(x * x, axis=1, keepdims=True))
    scale = jnp.where(n > MAX_NORM, MAX_NORM / (n + 1e-7), 1.0)
    o_ref[:] = x * scale


def _renorm_table(c):
    return pl.pallas_call(
        _renorm_body,
        out_shape=jax.ShapeDtypeStruct(c.shape, jnp.float32),
    )(c)


def _make_gather(rows):
    DW = 16
    rpw = rows // NW
    nch = rpw // CH
    K = 4
    HALF = K * CH
    nout = nch // K // 2
    mesh = plsc.VectorSubcoreMesh(
        core_axis_name="c", subcore_axis_name="s",
        num_cores=NC, num_subcores=NS)

    @functools.partial(
        pl.kernel,
        mesh=mesh,
        compiler_params=pltpu.CompilerParams(
            use_tc_tiling_on_sc=False, needs_layout_passes=False),
        out_type=jax.ShapeDtypeStruct((rows, DW), jnp.int32),
        scratch_types=[
            pltpu.VMEM((rpw,), jnp.int32),
            pltpu.VMEM_SHARED((TAB, DW), jnp.int32),
            pltpu.VMEM((2 * HALF, DW), jnp.int32),
            pltpu.SemaphoreType.DMA,
            pltpu.SemaphoreType.DMA,
            pltpu.SemaphoreType.DMA,
            pltpu.SemaphoreType.DMA,
        ],
    )
    def gather(tab_hbm, idx_hbm, out_hbm, idx_v, tab_sh, buf,
               gsem0, gsem1, wsem0, wsem1):
        wid = lax.axis_index("s") * NC + lax.axis_index("c")
        base = wid * rpw

        @pl.when(lax.axis_index("s") == 0)
        def _():
            pltpu.sync_copy(tab_hbm, tab_sh)

        plsc.subcore_barrier()
        pltpu.sync_copy(idx_hbm.at[pl.ds(base, rpw)], idx_v)
        gsems = (gsem0, gsem1)
        wsems = (wsem0, wsem1)

        def issue(h, g):
            for b in range(K):
                off = pl.multiple_of(g * HALF + b * CH, CH)
                pltpu.async_copy(
                    tab_sh.at[idx_v.at[pl.ds(off, CH)]],
                    buf.at[pl.ds(h * HALF + b * CH, CH)],
                    gsems[h])

        def wait_half(h, sem):
            pltpu.make_async_copy(
                out_hbm.at[pl.ds(base, HALF)],
                buf.at[pl.ds(h * HALF, HALF)],
                sem).wait()

        def write(h, g):
            pltpu.async_copy(
                buf.at[pl.ds(h * HALF, HALF)],
                out_hbm.at[pl.ds(base + g * HALF, HALF)],
                wsems[h])

        issue(0, 0)

        def outer(i, carry):
            @pl.when(i > 0)
            def _():
                wait_half(1, wsems[1])
            issue(1, 2 * i + 1)
            wait_half(0, gsems[0])
            write(0, 2 * i)

            @pl.when(i + 1 < nout)
            def _():
                wait_half(0, wsems[0])
                issue(0, 2 * i + 2)

            wait_half(1, gsems[1])
            write(1, 2 * i + 1)
            return carry

        lax.fori_loop(0, nout, outer, 0)
        wait_half(0, wsems[0])
        wait_half(1, wsems[1])

    return gather


NW1 = D + SEQ * D
NH = NW1 // 2
NWORD = P * D // 2


def _mlp_body(x_ref, w1_ref, b1_ref, w2_ref, b2_ref, w3_ref, b3_ref,
              o_ref, w1e_s, w1o_s):
    @pl.when(pl.program_id(0) == 0)
    def _():
        w13 = w1_ref[:].reshape(NW1 // D, 2, D // 2, HID1)
        w1e_s[pl.ds(0, NH), :] = w13[:, 0, :, :].reshape(NH, HID1).astype(jnp.bfloat16)
        w1o_s[pl.ds(0, NH), :] = w13[:, 1, :, :].reshape(NH, HID1).astype(jnp.bfloat16)
        zpad = jnp.zeros((NWORD - NH, HID1), jnp.bfloat16)
        w1e_s[pl.ds(NH, NWORD - NH), :] = zpad
        w1o_s[pl.ds(NH, NWORD - NH), :] = zpad

    bt = o_ref.shape[0]
    xi4 = x_ref[:].reshape(bt // 8, NWORD // 128, 8, 128)
    xi = jnp.concatenate(
        [xi4[:, j].reshape(bt, 128) for j in range(NWORD // 128)], axis=1)
    xe = lax.bitcast_convert_type(xi << 16, jnp.float32).astype(jnp.bfloat16)
    xo = lax.bitcast_convert_type(
        xi & jnp.int32(-65536), jnp.float32).astype(jnp.bfloat16)
    h1 = (jnp.dot(xe, w1e_s[:], preferred_element_type=jnp.float32)
          + jnp.dot(xo, w1o_s[:], preferred_element_type=jnp.float32))
    h1 = jnp.maximum(h1 + b1_ref[:], 0.0)
    h2 = jnp.dot(h1, w2_ref[:], preferred_element_type=jnp.float32)
    h2 = jnp.maximum(h2 + b2_ref[:], 0.0)
    o_ref[:] = jnp.dot(h2, w3_ref[:], preferred_element_type=jnp.float32) + b3_ref[:]


def _mlp(x, w1, b1, w2, b2, w3, b3, bt, b_rows):
    xrows = x.shape[0]
    xbt = xrows // (b_rows // bt)
    grid = (b_rows // bt,)
    return pl.pallas_call(
        _mlp_body,
        grid=grid,
        in_specs=[
            pl.BlockSpec((xbt, 128), lambda i: (i, 0)),
            pl.BlockSpec((NW1, HID1), lambda i: (0, 0)),
            pl.BlockSpec(b1.shape, lambda i: (0, 0)),
            pl.BlockSpec(w2.shape, lambda i: (0, 0)),
            pl.BlockSpec(b2.shape, lambda i: (0, 0)),
            pl.BlockSpec(w3.shape, lambda i: (0, 0)),
            pl.BlockSpec(b3.shape, lambda i: (0, 0)),
        ],
        out_specs=pl.BlockSpec((bt, 128), lambda i: (i, 0)),
        out_shape=jax.ShapeDtypeStruct((b_rows, 128), jnp.float32),
        scratch_shapes=[
            pltpu.VMEM((NWORD, HID1), jnp.bfloat16),
            pltpu.VMEM((NWORD, HID1), jnp.bfloat16),
        ],
    )(x, w1, b1, w2, b2, w3, b3)


def kernel(rna_data, tissue_id, tissue_table, seq_table, W1, b1, W2, b2, W3, b3):
    B, S = rna_data.shape

    tab = jnp.concatenate(
        [seq_table, tissue_table, jnp.zeros((1, D), jnp.float32)], axis=0)
    tab = _renorm_table(tab)

    idx = jnp.concatenate(
        [tissue_id[:, None].astype(jnp.int32) + 65,
         rna_data.astype(jnp.int32),
         jnp.full((B, 1), TAB - 1, jnp.int32)], axis=1)
    idx_flat = idx.reshape(B // 8, 8, P // 8, 8).transpose(
        0, 2, 1, 3).reshape(-1)

    tab_bf = tab.astype(jnp.bfloat16)
    tab_i32 = lax.bitcast_convert_type(
        tab_bf.reshape(TAB, 2, D // 2).transpose(0, 2, 1), jnp.int32)

    rows = B * P
    xw = _make_gather(rows)(tab_i32, idx_flat)
    xw = xw.reshape(rows * DW2 // 128, 128)

    w3e = jnp.concatenate(
        [W3, jnp.zeros((HID2, 127), jnp.float32)], axis=1)
    b3e = jnp.concatenate([b3, jnp.zeros((127,), jnp.float32)])[None, :]

    out = _mlp(xw, W1, b1[None, :], W2, b2[None, :], w3e, b3e,
               bt=512, b_rows=B)
    return out[:, :1]

# --- scband reference (transcript-rebuilt; emitter-appended) ---
"""Pipeline reference for scband-model-baseline-57569741636260 (READ-ONLY COPY).

The authoritative reference and input builder live on the scoring server;
editing this copy changes nothing except your own understanding.
"""

import jax, jax.numpy as jnp
import numpy as np

MAX_SEQ_LENGTH = 200
N_TISSUES = 30
SEQ_VOCAB = 65
D_TISSUE = 32
D_TOKEN = 32
HIDDEN = 512
MAX_NORM = 2.0


def _renorm(emb, max_norm):
    n = jnp.linalg.norm(emb, axis=-1, keepdims=True)
    scale = jnp.where(n > max_norm, max_norm / (n + 1e-7), 1.0)
    return emb * scale


def setup_inputs(seed: int = 0):
    key = jax.random.key(seed)
    ks = jax.random.split(key, 12)
    rna_data = jax.random.randint(ks[0], (4096, 150), 0, SEQ_VOCAB)
    tissue_id = jax.random.randint(ks[1], (4096,), 0, N_TISSUES)
    tissue_table = jax.random.normal(ks[2], (N_TISSUES, D_TISSUE), dtype=jnp.float32)
    seq_table = jax.random.normal(ks[3], (SEQ_VOCAB, D_TOKEN), dtype=jnp.float32)
    seq_table = seq_table.at[0].set(0.0)  # padding_idx=0
    in1 = D_TISSUE + MAX_SEQ_LENGTH * D_TOKEN
    W1 = jax.random.normal(ks[4], (in1, HIDDEN), dtype=jnp.float32) * (1.0 / np.sqrt(in1))
    b1 = jnp.zeros((HIDDEN,), dtype=jnp.float32)
    W2 = jax.random.normal(ks[5], (HIDDEN, HIDDEN // 2), dtype=jnp.float32) * (1.0 / np.sqrt(HIDDEN))
    b2 = jnp.zeros((HIDDEN // 2,), dtype=jnp.float32)
    W3 = jax.random.normal(ks[6], (HIDDEN // 2, 1), dtype=jnp.float32) * (1.0 / np.sqrt(HIDDEN // 2))
    b3 = jnp.zeros((1,), dtype=jnp.float32)
    return {"rna_data": rna_data, "tissue_id": tissue_id, "tissue_table": tissue_table, "seq_table": seq_table, "W1": W1, "b1": b1, "W2": W2, "b2": b2, "W3": W3, "b3": b3}


def reference(rna_data, tissue_id, tissue_table, seq_table, W1, b1, W2, b2, W3, b3):
    # tissue embedding lookup with max_norm renorm
    tissue_emb = _renorm(jnp.take(tissue_table, tissue_id, axis=0), MAX_NORM)
    # pad rna sequence to max_seq_length with padding value 0
    pad = MAX_SEQ_LENGTH - rna_data.shape[1]
    rna_pad = jnp.pad(rna_data, ((0, 0), (0, pad)), constant_values=0)
    # seq embedding lookup (padding_idx row is zero) with max_norm renorm
    seq_emb = _renorm(jnp.take(seq_table, rna_pad, axis=0), MAX_NORM)
    seq_flat = seq_emb.reshape(seq_emb.shape[0], -1)
    x = jnp.concatenate([tissue_emb, seq_flat], axis=1)
    x = jax.nn.relu(x @ W1 + b1)
    x = jax.nn.relu(x @ W2 + b2)
    x = x @ W3 + b3
    return x

if __name__ == "__main__":
    import jax
    _d = setup_inputs()
    print(jax.jit(kernel)(*tuple(_d.values())))

</pallas_src>

<mosaic_0001>
#map = affine_map<(d0, d1) -> (0, 0)>
#map1 = affine_map<(d0, d1) -> (0)>
module attributes {stable_mosaic.version = 14 : i64} {
  func.func @gather(%arg0: i32, %arg1: i32, %arg2: memref<96x16xi32, #tpu.memory_space<hbm>>, %arg3: memref<622592xi32, #tpu.memory_space<hbm>>, %arg4: memref<622592x16xi32, #tpu.memory_space<hbm>>, %arg5: memref<19456xi32, #tpu.memory_space<vmem>>, %arg6: memref<96x16xi32, #tpu.memory_space<vmem_shared>>, %arg7: memref<1024x16xi32, #tpu.memory_space<vmem>>, %arg8: memref<!tpu.dma_semaphore, #tpu.memory_space<semaphore_mem>>, %arg9: memref<!tpu.dma_semaphore, #tpu.memory_space<semaphore_mem>>, %arg10: memref<!tpu.dma_semaphore, #tpu.memory_space<semaphore_mem>>, %arg11: memref<!tpu.dma_semaphore, #tpu.memory_space<semaphore_mem>>) attributes {dimension_semantics = [#tpu.dimension_semantics<core_parallel>, #tpu.dimension_semantics<subcore_parallel>], iteration_bounds = array<i64: 2, 16>, scalar_prefetch = 0 : i64, scratch_operands = 7 : i64, tpu.core_type = #tpu.core_type<sc_vector_subcore>, window_params = [{transform_indices = #map}, {transform_indices = #map1}, {transform_indices = #map}]} {
    %mul3A = arith.constant 2 : i32
    %mul3A_0 = arith.muli %arg1, %mul3A : i32
    %add3A = arith.addi %mul3A_0, %arg0 : i32
    %mul3A_1 = arith.constant 19456 : i32
    %mul3A_2 = arith.muli %add3A, %mul3A_1 : i32
    %eq3A = arith.constant 0 : i32
    %eq3A_3 = arith.cmpi eq, %arg1, %eq3A : i32
    %convert_element_type3A = arith.extui %eq3A_3 : i1 to i32
    %cond3A = arith.constant 0 : i32
    %cond3A_4 = arith.cmpi ne, %convert_element_type3A, %cond3A : i32
    scf.if %cond3A_4 {
      "tpu.region"() ({
        %run_scoped3A = tpu.sem_alloc : memref<!tpu.dma_semaphore, #tpu.memory_space<semaphore_mem>>
        tpu.enqueue_dma source(%arg2 : memref<96x16xi32, #tpu.memory_space<hbm>>) target(%arg6 : memref<96x16xi32, #tpu.memory_space<vmem_shared>>) target_semaphore(%run_scoped3A : memref<!tpu.dma_semaphore, #tpu.memory_space<semaphore_mem>>)
        tpu.wait_dma2 semaphore(%run_scoped3A : memref<!tpu.dma_semaphore, #tpu.memory_space<semaphore_mem>>) src(%arg2 : memref<96x16xi32, #tpu.memory_space<hbm>>) dst(%arg6 : memref<96x16xi32, #tpu.memory_space<vmem_shared>>)
        tpu.yield
      }) : () -> ()
    } else {
    }
    %barrier3A = arith.constant 0 : index
    tpu.barrier barrier_id(%barrier3A)
    "tpu.region"() ({
      %run_scoped3A = tpu.sem_alloc : memref<!tpu.dma_semaphore, #tpu.memory_space<semaphore_mem>>
      %dma_start3A_63 = tpu.memref_slice %arg3[%mul3A_2] : memref<622592xi32, #tpu.memory_space<hbm>> -> memref<19456xi32, #tpu.memory_space<hbm>>
      %dma_start3A_64 = tpu.memref_slice %arg3[%mul3A_2] : memref<622592xi32, #tpu.memory_space<hbm>> -> memref<19456xi32, #tpu.memory_space<hbm>>
      tpu.enqueue_dma source(%dma_start3A_64 : memref<19456xi32, #tpu.memory_space<hbm>>) target(%arg5 : memref<19456xi32, #tpu.memory_space<vmem>>) target_semaphore(%run_scoped3A : memref<!tpu.dma_semaphore, #tpu.memory_space<semaphore_mem>>)
      %dma_wait3A_65 = tpu.memref_slice %arg3[%mul3A_2] : memref<622592xi32, #tpu.memory_space<hbm>> -> memref<19456xi32, #tpu.memory_space<hbm>>
      %dma_wait3A_66 = tpu.memref_slice %arg3[%mul3A_2] : memref<622592xi32, #tpu.memory_space<hbm>> -> memref<19456xi32, #tpu.memory_space<hbm>>
      tpu.wait_dma2 semaphore(%run_scoped3A : memref<!tpu.dma_semaphore, #tpu.memory_space<semaphore_mem>>) src(%dma_wait3A_66 : memref<19456xi32, #tpu.memory_space<hbm>>) dst(%arg5 : memref<19456xi32, #tpu.memory_space<vmem>>)
      tpu.yield
    }) : () -> ()
    %multiple_of3A = arith.constant 0 : i32
    %multiple_of3A_5 = tpu.assume_multiple %multiple_of3A, 128 : i32
    %dma_start3A = arith.constant 0 : i32
    %dma_start3A_6 = arith.constant 0 : i32
    %dma_start3A_7 = tpu.memref_slice %arg7[%dma_start3A, %dma_start3A_6] : memref<1024x16xi32, #tpu.memory_space<vmem>> -> memref<128x16xi32, #tpu.memory_space<vmem>>
    %dma_start3A_8 = tpu.memref_slice %arg5[%multiple_of3A_5] : memref<19456xi32, #tpu.memory_space<vmem>> -> memref<128xi32, #tpu.memory_space<vmem>>
    %dma_start3A_9 = arith.constant 0 : i32
    %dma_start3A_10 = arith.constant 0 : i32
    %dma_start3A_11 = tpu.memref_slice %arg6[%dma_start3A_9, %dma_start3A_10] : memref<96x16xi32, #tpu.memory_space<vmem_shared>> -> memref<96x16xi32, #tpu.memory_space<vmem_shared>>
    tpu.enqueue_indirect_dma source(%dma_start3A_11 : memref<96x16xi32, #tpu.memory_space<vmem_shared>>) target(%dma_start3A_7 : memref<128x16xi32, #tpu.memory_space<vmem>>) offsets(%dma_start3A_8 : memref<128xi32, #tpu.memory_space<vmem>>) semaphore(%arg8 : memref<!tpu.dma_semaphore, #tpu.memory_space<semaphore_mem>>)
    %multiple_of3A_12 = arith.constant 128 : i32
    %multiple_of3A_13 = tpu.assume_multiple %multiple_of3A_12, 128 : i32
    %dma_start3A_14 = arith.constant 128 : i32
    %dma_start3A_15 = arith.constant 0 : i32
    %dma_start3A_16 = tpu.memref_slice %arg7[%dma_start3A_14, %dma_start3A_15] : memref<1024x16xi32, #tpu.memory_space<vmem>> -> memref<128x16xi32, #tpu.memory_space<vmem>>
    %dma_start3A_17 = tpu.memref_slice %arg5[%multiple_of3A_13] : memref<19456xi32, #tpu.memory_space<vmem>> -> memref<128xi32, #tpu.memory_space<vmem>>
    %dma_start3A_18 = arith.constant 0 : i32
    %dma_start3A_19 = arith.constant 0 : i32
    %dma_start3A_20 = tpu.memref_slice %arg6[%dma_start3A_18, %dma_start3A_19] : memref<96x16xi32, #tpu.memory_space<vmem_shared>> -> memref<96x16xi32, #tpu.memory_space<vmem_shared>>
    tpu.enqueue_indirect_dma source(%dma_start3A_20 : memref<96x16xi32, #tpu.memory_space<vmem_shared>>) target(%dma_start3A_16 : memref<128x16xi32, #tpu.memory_space<vmem>>) offsets(%dma_start3A_17 : memref<128xi32, #tpu.memory_space<vmem>>) semaphore(%arg8 : memref<!tpu.dma_semaphore, #tpu.memory_space<semaphore_mem>>)
    %multiple_of3A_21 = arith.constant 256 : i32
    %multiple_of3A_22 = tpu.assume_multiple %multiple_of3A_21, 128 : i32
    %dma_start3A_23 = arith.constant 256 : i32
    %dma_start3A_24 = arith.constant 0 : i32
    %dma_start3A_25 = tpu.memref_slice %arg7[%dma_start3A_23, %dma_start3A_24] : memref<1024x16xi32, #tpu.memory_space<vmem>> -> memref<128x16xi32, #tpu.memory_space<vmem>>
    %dma_start3A_26 = tpu.memref_slice %arg5[%multiple_of3A_22] : memref<19456xi32, #tpu.memory_space<vmem>> -> memref<128xi32, #tpu.memory_space<vmem>>
    %dma_start3A_27 = arith.constant 0 : i32
    %dma_start3A_28 = arith.constant 0 : i32
    %dma_start3A_29 = tpu.memref_slice %arg6[%dma_start3A_27, %dma_start3A_28] : memref<96x16xi32, #tpu.memory_space<vmem_shared>> -> memref<96x16xi32, #tpu.memory_space<vmem_shared>>
    tpu.enqueue_indirect_dma source(%dma_start3A_29 : memref<96x16xi32, #tpu.memory_space<vmem_shared>>) target(%dma_start3A_25 : memref<128x16xi32, #tpu.memory_space<vmem>>) offsets(%dma_start3A_26 : memref<128xi32, #tpu.memory_space<vmem>>) semaphore(%arg8 : memref<!tpu.dma_semaphore, #tpu.memory_space<semaphore_mem>>)
    %multiple_of3A_30 = arith.constant 384 : i32
    %multiple_of3A_31 = tpu.assume_multiple %multiple_of3A_30, 128 : i32
    %dma_start3A_32 = arith.constant 384 : i32
    %dma_start3A_33 = arith.constant 0 : i32
    %dma_start3A_34 = tpu.memref_slice %arg7[%dma_start3A_32, %dma_start3A_33] : memref<1024x16xi32, #tpu.memory_space<vmem>> -> memref<128x16xi32, #tpu.memory_space<vmem>>
    %dma_start3A_35 = tpu.memref_slice %arg5[%multiple_of3A_31] : memref<19456xi32, #tpu.memory_space<vmem>> -> memref<128xi32, #tpu.memory_space<vmem>>
    %dma_start3A_36 = arith.constant 0 : i32
    %dma_start3A_37 = arith.constant 0 : i32
    %dma_start3A_38 = tpu.memref_slice %arg6[%dma_start3A_36, %dma_start3A_37] : memref<96x16xi32, #tpu.memory_space<vmem_shared>> -> memref<96x16xi32, #tpu.memory_space<vmem_shared>>
    tpu.enqueue_indirect_dma source(%dma_start3A_38 : memref<96x16xi32, #tpu.memory_space<vmem_shared>>) target(%dma_start3A_34 : memref<128x16xi32, #tpu.memory_space<vmem>>) offsets(%dma_start3A_35 : memref<128xi32, #tpu.memory_space<vmem>>) semaphore(%arg8 : memref<!tpu.dma_semaphore, #tpu.memory_space<semaphore_mem>>)
    %scan3A = arith.constant 0 : i32
    %scan3A_39 = arith.constant 0 : i32
    %scan3A_40 = arith.constant 19 : i32
    %scan3A_41 = arith.addi %scan3A_39, %scan3A_40 : i32
    %scan3A_42 = arith.constant 1 : i32
    scf.for %scan3A_63 = %scan3A_39 to %scan3A_41 step %scan3A_42  : i32 {
      %gt3A = arith.constant 0 : i32
      %gt3A_64 = arith.cmpi sgt, %scan3A_63, %gt3A : i32
      %convert_element_type3A_65 = arith.extui %gt3A_64 : i1 to i32
      %cond3A_66 = arith.constant 0 : i32
      %cond3A_67 = arith.cmpi ne, %convert_element_type3A_65, %cond3A_66 : i32
      scf.if %cond3A_67 {
        %dma_wait3A_178 = arith.constant 512 : i32
        %dma_wait3A_179 = arith.constant 0 : i32
        %dma_wait3A_180 = tpu.memref_slice %arg7[%dma_wait3A_178, %dma_wait3A_179] : memref<1024x16xi32, #tpu.memory_space<vmem>> -> memref<512x16xi32, #tpu.memory_space<vmem>>
        %dma_wait3A_181 = arith.constant 0 : i32
        %dma_wait3A_182 = tpu.memref_slice %arg4[%mul3A_2, %dma_wait3A_181] : memref<622592x16xi32, #tpu.memory_space<hbm>> -> memref<512x16xi32, #tpu.memory_space<hbm>>
        %dma_wait3A_183 = arith.constant 512 : i32
        %dma_wait3A_184 = arith.constant 0 : i32
        %dma_wait3A_185 = tpu.memref_slice %arg7[%dma_wait3A_183, %dma_wait3A_184] : memref<1024x16xi32, #tpu.memory_space<vmem>> -> memref<512x16xi32, #tpu.memory_space<vmem>>
        %dma_wait3A_186 = arith.constant 0 : i32
        %dma_wait3A_187 = tpu.memref_slice %arg4[%mul3A_2, %dma_wait3A_186] : memref<622592x16xi32, #tpu.memory_space<hbm>> -> memref<512x16xi32, #tpu.memory_space<hbm>>
        tpu.wait_dma2 semaphore(%arg11 : memref<!tpu.dma_semaphore, #tpu.memory_space<semaphore_mem>>) src(%dma_wait3A_187 : memref<512x16xi32, #tpu.memory_space<hbm>>) dst(%dma_wait3A_185 : memref<512x16xi32, #tpu.memory_space<vmem>>)
      } else {
      }
      %mul3A_68 = arith.constant 2 : i32
      %mul3A_69 = arith.muli %mul3A_68, %scan3A_63 : i32
      %add3A_70 = arith.constant 1 : i32
      %add3A_71 = arith.addi %mul3A_69, %add3A_70 : i32
      %mul3A_72 = arith.constant 512 : i32
      %mul3A_73 = arith.muli %add3A_71, %mul3A_72 : i32
      %add3A_74 = arith.constant 0 : i32
      %add3A_75 = arith.addi %mul3A_73, %add3A_74 : i32
      %multiple_of3A_76 = tpu.assume_multiple %add3A_75, 128 : i32
      %dma_start3A_77 = arith.constant 512 : i32
      %dma_start3A_78 = arith.constant 0 : i32
      %dma_start3A_79 = tpu.memref_slice %arg7[%dma_start3A_77, %dma_start3A_78] : memref<1024x16xi32, #tpu.memory_space<vmem>> -> memref<128x16xi32, #tpu.memory_space<vmem>>
      %dma_start3A_80 = tpu.memref_slice %arg5[%multiple_of3A_76] : memref<19456xi32, #tpu.memory_space<vmem>> -> memref<128xi32, #tpu.memory_space<vmem>>
      %dma_start3A_81 = arith.constant 0 : i32
      %dma_start3A_82 = arith.constant 0 : i32
      %dma_start3A_83 = tpu.memref_slice %arg6[%dma_start3A_81, %dma_start3A_82] : memref<96x16xi32, #tpu.memory_space<vmem_shared>> -> memref<96x16xi32, #tpu.memory_space<vmem_shared>>
      tpu.enqueue_indirect_dma source(%dma_start3A_83 : memref<96x16xi32, #tpu.memory_space<vmem_shared>>) target(%dma_start3A_79 : memref<128x16xi32, #tpu.memory_space<vmem>>) offsets(%dma_start3A_80 : memref<128xi32, #tpu.memory_space<vmem>>) semaphore(%arg9 : memref<!tpu.dma_semaphore, #tpu.memory_space<semaphore_mem>>)
      %mul3A_84 = arith.constant 512 : i32
      %mul3A_85 = arith.muli %add3A_71, %mul3A_84 : i32
      %add3A_86 = arith.constant 128 : i32
      %add3A_87 = arith.addi %mul3A_85, %add3A_86 : i32
      %multiple_of3A_88 = tpu.assume_multiple %add3A_87, 128 : i32
      %dma_start3A_89 = arith.constant 640 : i32
      %dma_start3A_90 = arith.constant 0 : i32
      %dma_start3A_91 = tpu.memref_slice %arg7[%dma_start3A_89, %dma_start3A_90] : memref<1024x16xi32, #tpu.memory_space<vmem>> -> memref<128x16xi32, #tpu.memory_space<vmem>>
      %dma_start3A_92 = tpu.memref_slice %arg5[%multiple_of3A_88] : memref<19456xi32, #tpu.memory_space<vmem>> -> memref<128xi32, #tpu.memory_space<vmem>>
      %dma_start3A_93 = arith.constant 0 : i32
      %dma_start3A_94 = arith.constant 0 : i32
      %dma_start3A_95 = tpu.memref_slice %arg6[%dma_start3A_93, %dma_start3A_94] : memref<96x16xi32, #tpu.memory_space<vmem_shared>> -> memref<96x16xi32, #tpu.memory_space<vmem_shared>>
      tpu.enqueue_indirect_dma source(%dma_start3A_95 : memref<96x16xi32, #tpu.memory_space<vmem_shared>>) target(%dma_start3A_91 : memref<128x16xi32, #tpu.memory_space<vmem>>) offsets(%dma_start3A_92 : memref<128xi32, #tpu.memory_space<vmem>>) semaphore(%arg9 : memref<!tpu.dma_semaphore, #tpu.memory_space<semaphore_mem>>)
      %mul3A_96 = arith.constant 512 : i32
      %mul3A_97 = arith.muli %add3A_71, %mul3A_96 : i32
      %add3A_98 = arith.constant 256 : i32
      %add3A_99 = arith.addi %mul3A_97, %add3A_98 : i32
      %multiple_of3A_100 = tpu.assume_multiple %add3A_99, 128 : i32
      %dma_start3A_101 = arith.constant 768 : i32
      %dma_start3A_102 = arith.constant 0 : i32
      %dma_start3A_103 = tpu.memref_slice %arg7[%dma_start3A_101, %dma_start3A_102] : memref<1024x16xi32, #tpu.memory_space<vmem>> -> memref<128x16xi32, #tpu.memory_space<vmem>>
      %dma_start3A_104 = tpu.memref_slice %arg5[%multiple_of3A_100] : memref<19456xi32, #tpu.memory_space<vmem>> -> memref<128xi32, #tpu.memory_space<vmem>>
      %dma_start3A_105 = arith.constant 0 : i32
      %dma_start3A_106 = arith.constant 0 : i32
      %dma_start3A_107 = tpu.memref_slice %arg6[%dma_start3A_105, %dma_start3A_106] : memref<96x16xi32, #tpu.memory_space<vmem_shared>> -> memref<96x16xi32, #tpu.memory_space<vmem_shared>>
      tpu.enqueue_indirect_dma source(%dma_start3A_107 : memref<96x16xi32, #tpu.memory_space<vmem_shared>>) target(%dma_start3A_103 : memref<128x16xi32, #tpu.memory_space<vmem>>) offsets(%dma_start3A_104 : memref<128xi32, #tpu.memory_space<vmem>>) semaphore(%arg9 : memref<!tpu.dma_semaphore, #tpu.memory_space<semaphore_mem>>)
      %mul3A_108 = arith.constant 512 : i32
      %mul3A_109 = arith.muli %add3A_71, %mul3A_108 : i32
      %add3A_110 = arith.constant 384 : i32
      %add3A_111 = arith.addi %mul3A_109, %add3A_110 : i32
      %multiple_of3A_112 = tpu.assume_multiple %add3A_111, 128 : i32
      %dma_start3A_113 = arith.constant 896 : i32
      %dma_start3A_114 = arith.constant 0 : i32
      %dma_start3A_115 = tpu.memref_slice %arg7[%dma_start3A_113, %dma_start3A_114] : memref<1024x16xi32, #tpu.memory_space<vmem>> -> memref<128x16xi32, #tpu.memory_space<vmem>>
      %dma_start3A_116 = tpu.memref_slice %arg5[%multiple_of3A_112] : memref<19456xi32, #tpu.memory_space<vmem>> -> memref<128xi32, #tpu.memory_space<vmem>>
      %dma_start3A_117 = arith.constant 0 : i32
      %dma_start3A_118 = arith.constant 0 : i32
      %dma_start3A_119 = tpu.memref_slice %arg6[%dma_start3A_117, %dma_start3A_118] : memref<96x16xi32, #tpu.memory_space<vmem_shared>> -> memref<96x16xi32, #tpu.memory_space<vmem_shared>>
      tpu.enqueue_indirect_dma source(%dma_start3A_119 : memref<96x16xi32, #tpu.memory_space<vmem_shared>>) target(%dma_start3A_115 : memref<128x16xi32, #tpu.memory_space<vmem>>) offsets(%dma_start3A_116 : memref<128xi32, #tpu.memory_space<vmem>>) semaphore(%arg9 : memref<!tpu.dma_semaphore, #tpu.memory_space<semaphore_mem>>)
      %dma_wait3A_120 = arith.constant 0 : i32
      %dma_wait3A_121 = arith.constant 0 : i32
      %dma_wait3A_122 = tpu.memref_slice %arg7[%dma_wait3A_120, %dma_wait3A_121] : memref<1024x16xi32, #tpu.memory_space<vmem>> -> memref<512x16xi32, #tpu.memory_space<vmem>>
      %dma_wait3A_123 = arith.constant 0 : i32
      %dma_wait3A_124 = tpu.memref_slice %arg4[%mul3A_2, %dma_wait3A_123] : memref<622592x16xi32, #tpu.memory_space<hbm>> -> memref<512x16xi32, #tpu.memory_space<hbm>>
      %dma_wait3A_125 = arith.constant 0 : i32
      %dma_wait3A_126 = arith.constant 0 : i32
      %dma_wait3A_127 = tpu.memref_slice %arg7[%dma_wait3A_125, %dma_wait3A_126] : memref<1024x16xi32, #tpu.memory_space<vmem>> -> memref<512x16xi32, #tpu.memory_space<vmem>>
      %dma_wait3A_128 = arith.constant 0 : i32
      %dma_wait3A_129 = tpu.memref_slice %arg4[%mul3A_2, %dma_wait3A_128] : memref<622592x16xi32, #tpu.memory_space<hbm>> -> memref<512x16xi32, #tpu.memory_space<hbm>>
      tpu.wait_dma2 semaphore(%arg8 : memref<!tpu.dma_semaphore, #tpu.memory_space<semaphore_mem>>) src(%dma_wait3A_129 : memref<512x16xi32, #tpu.memory_space<hbm>>) dst(%dma_wait3A_127 : memref<512x16xi32, #tpu.memory_space<vmem>>)
      %mul3A_130 = arith.constant 2 : i32
      %mul3A_131 = arith.muli %mul3A_130, %scan3A_63 : i32
      %mul3A_132 = arith.constant 512 : i32
      %mul3A_133 = arith.muli %mul3A_131, %mul3A_132 : i32
      %add3A_134 = arith.addi %mul3A_2, %mul3A_133 : i32
      %dma_start3A_135 = arith.constant 0 : i32
      %dma_start3A_136 = arith.constant 0 : i32
      %dma_start3A_137 = tpu.memref_slice %arg7[%dma_start3A_135, %dma_start3A_136] : memref<1024x16xi32, #tpu.memory_space<vmem>> -> memref<512x16xi32, #tpu.memory_space<vmem>>
      %dma_start3A_138 = arith.constant 0 : i32
      %dma_start3A_139 = tpu.memref_slice %arg4[%add3A_134, %dma_start3A_138] : memref<622592x16xi32, #tpu.memory_space<hbm>> -> memref<512x16xi32, #tpu.memory_space<hbm>>
      %dma_start3A_140 = arith.constant 0 : i32
      %dma_start3A_141 = tpu.memref_slice %arg4[%add3A_134, %dma_start3A_140] : memref<622592x16xi32, #tpu.memory_space<hbm>> -> memref<512x16xi32, #tpu.memory_space<hbm>>
      %dma_start3A_142 = arith.constant 0 : i32
      %dma_start3A_143 = arith.constant 0 : i32
      %dma_start3A_144 = tpu.memref_slice %arg7[%dma_start3A_142, %dma_start3A_143] : memref<1024x16xi32, #tpu.memory_space<vmem>> -> memref<512x16xi32, #tpu.memory_space<vmem>>
      tpu.enqueue_dma source(%dma_start3A_144 : memref<512x16xi32, #tpu.memory_space<vmem>>) target(%dma_start3A_141 : memref<512x16xi32, #tpu.memory_space<hbm>>) target_semaphore(%arg10 : memref<!tpu.dma_semaphore, #tpu.memory_space<semaphore_mem>>)
      %add3A_145 = arith.constant 1 : i32
      %add3A_146 = arith.addi %scan3A_63, %add3A_145 : i32
      %lt3A = arith.constant 19 : i32
      %lt3A_147 = arith.cmpi slt, %add3A_146, %lt3A : i32
      %convert_element_type3A_148 = arith.extui %lt3A_147 : i1 to i32
      %cond3A_149 = arith.constant 0 : i32
      %cond3A_150 = arith.cmpi ne, %convert_element_type3A_148, %cond3A_149 : i32
      scf.if %cond3A_150 {
        %dma_wait3A_178 = arith.constant 0 : i32
        %dma_wait3A_179 = arith.constant 0 : i32
        %dma_wait3A_180 = tpu.memref_slice %arg7[%dma_wait3A_178, %dma_wait3A_179] : memref<1024x16xi32, #tpu.memory_space<vmem>> -> memref<512x16xi32, #tpu.memory_space<vmem>>
        %dma_wait3A_181 = arith.constant 0 : i32
        %dma_wait3A_182 = tpu.memref_slice %arg4[%mul3A_2, %dma_wait3A_181] : memref<622592x16xi32, #tpu.memory_space<hbm>> -> memref<512x16xi32, #tpu.memory_space<hbm>>
        %dma_wait3A_183 = arith.constant 0 : i32
        %dma_wait3A_184 = arith.constant 0 : i32
        %dma_wait3A_185 = tpu.memref_slice %arg7[%dma_wait3A_183, %dma_wait3A_184] : memref<1024x16xi32, #tpu.memory_space<vmem>> -> memref<512x16xi32, #tpu.memory_space<vmem>>
        %dma_wait3A_186 = arith.constant 0 : i32
        %dma_wait3A_187 = tpu.memref_slice %arg4[%mul3A_2, %dma_wait3A_186] : memref<622592x16xi32, #tpu.memory_space<hbm>> -> memref<512x16xi32, #tpu.memory_space<hbm>>
        tpu.wait_dma2 semaphore(%arg10 : memref<!tpu.dma_semaphore, #tpu.memory_space<semaphore_mem>>) src(%dma_wait3A_187 : memref<512x16xi32, #tpu.memory_space<hbm>>) dst(%dma_wait3A_185 : memref<512x16xi32, #tpu.memory_space<vmem>>)
        %mul3A_188 = arith.constant 2 : i32
        %mul3A_189 = arith.muli %mul3A_188, %scan3A_63 : i32
        %add3A_190 = arith.constant 2 : i32
        %add3A_191 = arith.addi %mul3A_189, %add3A_190 : i32
        %mul3A_192 = arith.constant 512 : i32
        %mul3A_193 = arith.muli %add3A_191, %mul3A_192 : i32
        %add3A_194 = arith.constant 0 : i32
        %add3A_195 = arith.addi %mul3A_193, %add3A_194 : i32
        %multiple_of3A_196 = tpu.assume_multiple %add3A_195, 128 : i32
        %dma_start3A_197 = arith.constant 0 : i32
        %dma_start3A_198 = arith.constant 0 : i32
        %dma_start3A_199 = tpu.memref_slice %arg7[%dma_start3A_197, %dma_start3A_198] : memref<1024x16xi32, #tpu.memory_space<vmem>> -> memref<128x16xi32, #tpu.memory_space<vmem>>
        %dma_start3A_200 = tpu.memref_slice %arg5[%multiple_of3A_196] : memref<19456xi32, #tpu.memory_space<vmem>> -> memref<128xi32, #tpu.memory_space<vmem>>
        %dma_start3A_201 = arith.constant 0 : i32
        %dma_start3A_202 = arith.constant 0 : i32
        %dma_start3A_203 = tpu.memref_slice %arg6[%dma_start3A_201, %dma_start3A_202] : memref<96x16xi32, #tpu.memory_space<vmem_shared>> -> memref<96x16xi32, #tpu.memory_space<vmem_shared>>
        tpu.enqueue_indirect_dma source(%dma_start3A_203 : memref<96x16xi32, #tpu.memory_space<vmem_shared>>) target(%dma_start3A_199 : memref<128x16xi32, #tpu.memory_space<vmem>>) offsets(%dma_start3A_200 : memref<128xi32, #tpu.memory_space<vmem>>) semaphore(%arg8 : memref<!tpu.dma_semaphore, #tpu.memory_space<semaphore_mem>>)
        %mul3A_204 = arith.constant 512 : i32
        %mul3A_205 = arith.muli %add3A_191, %mul3A_204 : i32
        %add3A_206 = arith.constant 128 : i32
        %add3A_207 = arith.addi %mul3A_205, %add3A_206 : i32
        %multiple_of3A_208 = tpu.assume_multiple %add3A_207, 128 : i32
        %dma_start3A_209 = arith.constant 128 : i32
        %dma_start3A_210 = arith.constant 0 : i32
        %dma_start3A_211 = tpu.memref_slice %arg7[%dma_start3A_209, %dma_start3A_210] : memref<1024x16xi32, #tpu.memory_space<vmem>> -> memref<128x16xi32, #tpu.memory_space<vmem>>
        %dma_start3A_212 = tpu.memref_slice %arg5[%multiple_of3A_208] : memref<19456xi32, #tpu.memory_space<vmem>> -> memref<128xi32, #tpu.memory_space<vmem>>
        %dma_start3A_213 = arith.constant 0 : i32
        %dma_start3A_214 = arith.constant 0 : i32
        %dma_start3A_215 = tpu.memref_slice %arg6[%dma_start3A_213, %dma_start3A_214] : memref<96x16xi32, #tpu.memory_space<vmem_shared>> -> memref<96x16xi32, #tpu.memory_space<vmem_shared>>
        tpu.enqueue_indirect_dma source(%dma_start3A_215 : memref<96x16xi32, #tpu.memory_space<vmem_shared>>) target(%dma_start3A_211 : memref<128x16xi32, #tpu.memory_space<vmem>>) offsets(%dma_start3A_212 : memref<128xi32, #tpu.memory_space<vmem>>) semaphore(%arg8 : memref<!tpu.dma_semaphore, #tpu.memory_space<semaphore_mem>>)
        %mul3A_216 = arith.constant 512 : i32
        %mul3A_217 = arith.muli %add3A_191, %mul3A_216 : i32
        %add3A_218 = arith.constant 256 : i32
        %add3A_219 = arith.addi %mul3A_217, %add3A_218 : i32
        %multiple_of3A_220 = tpu.assume_multiple %add3A_219, 128 : i32
        %dma_start3A_221 = arith.constant 256 : i32
        %dma_start3A_222 = arith.constant 0 : i32
        %dma_start3A_223 = tpu.memref_slice %arg7[%dma_start3A_221, %dma_start3A_222] : memref<1024x16xi32, #tpu.memory_space<vmem>> -> memref<128x16xi32, #tpu.memory_space<vmem>>
        %dma_start3A_224 = tpu.memref_slice %arg5[%multiple_of3A_220] : memref<19456xi32, #tpu.memory_space<vmem>> -> memref<128xi32, #tpu.memory_space<vmem>>
        %dma_start3A_225 = arith.constant 0 : i32
        %dma_start3A_226 = arith.constant 0 : i32
        %dma_start3A_227 = tpu.memref_slice %arg6[%dma_start3A_225, %dma_start3A_226] : memref<96x16xi32, #tpu.memory_space<vmem_shared>> -> memref<96x16xi32, #tpu.memory_space<vmem_shared>>
        tpu.enqueue_indirect_dma source(%dma_start3A_227 : memref<96x16xi32, #tpu.memory_space<vmem_shared>>) target(%dma_start3A_223 : memref<128x16xi32, #tpu.memory_space<vmem>>) offsets(%dma_start3A_224 : memref<128xi32, #tpu.memory_space<vmem>>) semaphore(%arg8 : memref<!tpu.dma_semaphore, #tpu.memory_space<semaphore_mem>>)
        %mul3A_228 = arith.constant 512 : i32
        %mul3A_229 = arith.muli %add3A_191, %mul3A_228 : i32
        %add3A_230 = arith.constant 384 : i32
        %add3A_231 = arith.addi %mul3A_229, %add3A_230 : i32
        %multiple_of3A_232 = tpu.assume_multiple %add3A_231, 128 : i32
        %dma_start3A_233 = arith.constant 384 : i32
        %dma_start3A_234 = arith.constant 0 : i32
        %dma_start3A_235 = tpu.memref_slice %arg7[%dma_start3A_233, %dma_start3A_234] : memref<1024x16xi32, #tpu.memory_space<vmem>> -> memref<128x16xi32, #tpu.memory_space<vmem>>
        %dma_start3A_236 = tpu.memref_slice %arg5[%multiple_of3A_232] : memref<19456xi32, #tpu.memory_space<vmem>> -> memref<128xi32, #tpu.memory_space<vmem>>
        %dma_start3A_237 = arith.constant 0 : i32
        %dma_start3A_238 = arith.constant 0 : i32
        %dma_start3A_239 = tpu.memref_slice %arg6[%dma_start3A_237, %dma_start3A_238] : memref<96x16xi32, #tpu.memory_space<vmem_shared>> -> memref<96x16xi32, #tpu.memory_space<vmem_shared>>
        tpu.enqueue_indirect_dma source(%dma_start3A_239 : memref<96x16xi32, #tpu.memory_space<vmem_shared>>) target(%dma_start3A_235 : memref<128x16xi32, #tpu.memory_space<vmem>>) offsets(%dma_start3A_236 : memref<128xi32, #tpu.memory_space<vmem>>) semaphore(%arg8 : memref<!tpu.dma_semaphore, #tpu.memory_space<semaphore_mem>>)
      } else {
      }
      %dma_wait3A_151 = arith.constant 512 : i32
      %dma_wait3A_152 = arith.constant 0 : i32
      %dma_wait3A_153 = tpu.memref_slice %arg7[%dma_wait3A_151, %dma_wait3A_152] : memref<1024x16xi32, #tpu.memory_space<vmem>> -> memref<512x16xi32, #tpu.memory_space<vmem>>
      %dma_wait3A_154 = arith.constant 0 : i32
      %dma_wait3A_155 = tpu.memref_slice %arg4[%mul3A_2, %dma_wait3A_154] : memref<622592x16xi32, #tpu.memory_space<hbm>> -> memref<512x16xi32, #tpu.memory_space<hbm>>
      %dma_wait3A_156 = arith.constant 512 : i32
      %dma_wait3A_157 = arith.constant 0 : i32
      %dma_wait3A_158 = tpu.memref_slice %arg7[%dma_wait3A_156, %dma_wait3A_157] : memref<1024x16xi32, #tpu.memory_space<vmem>> -> memref<512x16xi32, #tpu.memory_space<vmem>>
      %dma_wait3A_159 = arith.constant 0 : i32
      %dma_wait3A_160 = tpu.memref_slice %arg4[%mul3A_2, %dma_wait3A_159] : memref<622592x16xi32, #tpu.memory_space<hbm>> -> memref<512x16xi32, #tpu.memory_space<hbm>>
      tpu.wait_dma2 semaphore(%arg9 : memref<!tpu.dma_semaphore, #tpu.memory_space<semaphore_mem>>) src(%dma_wait3A_160 : memref<512x16xi32, #tpu.memory_space<hbm>>) dst(%dma_wait3A_158 : memref<512x16xi32, #tpu.memory_space<vmem>>)
      %mul3A_161 = arith.constant 2 : i32
      %mul3A_162 = arith.muli %mul3A_161, %scan3A_63 : i32
      %add3A_163 = arith.constant 1 : i32
      %add3A_164 = arith.addi %mul3A_162, %add3A_163 : i32
      %mul3A_165 = arith.constant 512 : i32
      %mul3A_166 = arith.muli %add3A_164, %mul3A_165 : i32
      %add3A_167 = arith.addi %mul3A_2, %mul3A_166 : i32
      %dma_start3A_168 = arith.constant 512 : i32
      %dma_start3A_169 = arith.constant 0 : i32
      %dma_start3A_170 = tpu.memref_slice %arg7[%dma_start3A_168, %dma_start3A_169] : memref<1024x16xi32, #tpu.memory_space<vmem>> -> memref<512x16xi32, #tpu.memory_space<vmem>>
      %dma_start3A_171 = arith.constant 0 : i32
      %dma_start3A_172 = tpu.memref_slice %arg4[%add3A_167, %dma_start3A_171] : memref<622592x16xi32, #tpu.memory_space<hbm>> -> memref<512x16xi32, #tpu.memory_space<hbm>>
      %dma_start3A_173 = arith.constant 0 : i32
      %dma_start3A_174 = tpu.memref_slice %arg4[%add3A_167, %dma_start3A_173] : memref<622592x16xi32, #tpu.memory_space<hbm>> -> memref<512x16xi32, #tpu.memory_space<hbm>>
      %dma_start3A_175 = arith.constant 512 : i32
      %dma_start3A_176 = arith.constant 0 : i32
      %dma_start3A_177 = tpu.memref_slice %arg7[%dma_start3A_175, %dma_start3A_176] : memref<1024x16xi32, #tpu.memory_space<vmem>> -> memref<512x16xi32, #tpu.memory_space<vmem>>
      tpu.enqueue_dma source(%dma_start3A_177 : memref<512x16xi32, #tpu.memory_space<vmem>>) target(%dma_start3A_174 : memref<512x16xi32, #tpu.memory_space<hbm>>) target_semaphore(%arg11 : memref<!tpu.dma_semaphore, #tpu.memory_space<semaphore_mem>>)
    }
    %scan3A_43 = arith.constant 19 : i32
    %dma_wait3A = arith.constant 0 : i32
    %dma_wait3A_44 = arith.constant 0 : i32
    %dma_wait3A_45 = tpu.memref_slice %arg7[%dma_wait3A, %dma_wait3A_44] : memref<1024x16xi32, #tpu.memory_space<vmem>> -> memref<512x16xi32, #tpu.memory_space<vmem>>
    %dma_wait3A_46 = arith.constant 0 : i32
    %dma_wait3A_47 = tpu.memref_slice %arg4[%mul3A_2, %dma_wait3A_46] : memref<622592x16xi32, #tpu.memory_space<hbm>> -> memref<512x16xi32, #tpu.memory_space<hbm>>
    %dma_wait3A_48 = arith.constant 0 : i32
    %dma_wait3A_49 = arith.constant 0 : i32
    %dma_wait3A_50 = tpu.memref_slice %arg7[%dma_wait3A_48, %dma_wait3A_49] : memref<1024x16xi32, #tpu.memory_space<vmem>> -> memref<512x16xi32, #tpu.memory_space<vmem>>
    %dma_wait3A_51 = arith.constant 0 : i32
    %dma_wait3A_52 = tpu.memref_slice %arg4[%mul3A_2, %dma_wait3A_51] : memref<622592x16xi32, #tpu.memory_space<hbm>> -> memref<512x16xi32, #tpu.memory_space<hbm>>
    tpu.wait_dma2 semaphore(%arg10 : memref<!tpu.dma_semaphore, #tpu.memory_space<semaphore_mem>>) src(%dma_wait3A_52 : memref<512x16xi32, #tpu.memory_space<hbm>>) dst(%dma_wait3A_50 : memref<512x16xi32, #tpu.memory_space<vmem>>)
    %dma_wait3A_53 = arith.constant 512 : i32
    %dma_wait3A_54 = arith.constant 0 : i32
    %dma_wait3A_55 = tpu.memref_slice %arg7[%dma_wait3A_53, %dma_wait3A_54] : memref<1024x16xi32, #tpu.memory_space<vmem>> -> memref<512x16xi32, #tpu.memory_space<vmem>>
    %dma_wait3A_56 = arith.constant 0 : i32
    %dma_wait3A_57 = tpu.memref_slice %arg4[%mul3A_2, %dma_wait3A_56] : memref<622592x16xi32, #tpu.memory_space<hbm>> -> memref<512x16xi32, #tpu.memory_space<hbm>>
    %dma_wait3A_58 = arith.constant 512 : i32
    %dma_wait3A_59 = arith.constant 0 : i32
    %dma_wait3A_60 = tpu.memref_slice %arg7[%dma_wait3A_58, %dma_wait3A_59] : memref<1024x16xi32, #tpu.memory_space<vmem>> -> memref<512x16xi32, #tpu.memory_space<vmem>>
    %dma_wait3A_61 = arith.constant 0 : i32
    %dma_wait3A_62 = tpu.memref_slice %arg4[%mul3A_2, %dma_wait3A_61] : memref<622592x16xi32, #tpu.memory_space<hbm>> -> memref<512x16xi32, #tpu.memory_space<hbm>>
    tpu.wait_dma2 semaphore(%arg11 : memref<!tpu.dma_semaphore, #tpu.memory_space<semaphore_mem>>) src(%dma_wait3A_62 : memref<512x16xi32, #tpu.memory_space<hbm>>) dst(%dma_wait3A_60 : memref<512x16xi32, #tpu.memory_space<vmem>>)
    return
  }
}

module attributes {stable_mosaic.version = 14 : i64} {
  func.func @_renorm_body(%arg0: memref<96x32xf32, #tpu.memory_space<vmem>>, %arg1: memref<96x32xf32, #tpu.memory_space<vmem>>) attributes {dimension_semantics = [], scalar_prefetch = 0 : i64, scratch_operands = 0 : i64, tpu.core_type = #tpu.core_type<tc>} {
    %get3A = arith.constant 0 : index
    %get3A_0 = arith.constant 0 : index
    %get3A_1 = vector.load %arg0[%get3A, %get3A_0] : memref<96x32xf32, #tpu.memory_space<vmem>>, vector<96x32xf32>
    %mul3A = arith.mulf %get3A_1, %get3A_1 : vector<96x32xf32>
    %reduce_sum3A = arith.constant dense<0.000000e+00> : vector<96xf32>
    %reduce_sum3A_2 = vector.multi_reduction <add>, %mul3A, %reduce_sum3A [1] : vector<96x32xf32> to vector<96xf32>
    %broadcast_in_dim3A = vector.shape_cast %reduce_sum3A_2 : vector<96xf32> to vector<96x1xf32>
    %sqrt3A = math.sqrt %broadcast_in_dim3A : vector<96x1xf32>
    %gt3A = arith.constant 2.000000e+00 : f32
    %gt3A_3 = vector.broadcast %gt3A : f32 to vector<96x1xf32>
    %gt3A_4 = arith.cmpf ogt, %sqrt3A, %gt3A_3 : vector<96x1xf32>
    %add3A = arith.constant 1.000000e-07 : f32
    %add3A_5 = vector.broadcast %add3A : f32 to vector<96x1xf32>
    %add3A_6 = arith.addf %sqrt3A, %add3A_5 : vector<96x1xf32>
    %div3A = arith.constant 2.000000e+00 : f32
    %div3A_7 = vector.broadcast %div3A : f32 to vector<96x1xf32>
    %div3A_8 = arith.divf %div3A_7, %add3A_6 : vector<96x1xf32>
    %jit3A = arith.constant 1.000000e+00 : f32
    %broadcast_in_dim3A_9 = vector.broadcast %jit3A : f32 to vector<96x1xf32>
    %select_n3A = arith.select %gt3A_4, %div3A_8, %broadcast_in_dim3A_9 : vector<96x1xi1>, vector<96x1xf32>
    %mul3A_10 = vector.broadcast %select_n3A : vector<96x1xf32> to vector<96x32xf32>
    %mul3A_11 = arith.mulf %get3A_1, %mul3A_10 : vector<96x32xf32>
    %swap3A = arith.constant 0 : index
    %swap3A_12 = arith.constant 0 : index
    %swap3A_13 = vector.load %arg1[%swap3A, %swap3A_12] : memref<96x32xf32, #tpu.memory_space<vmem>>, vector<96x32xf32>
    tpu.vector_store %arg1[%swap3A, %swap3A_12], %mul3A_11 {strides = array<i32>} : memref<96x32xf32, #tpu.memory_space<vmem>>, vector<96x32xf32>,
    return
  }
}

module attributes {stable_mosaic.version = 14 : i64} {
  func.func @_mlp_body(%arg0: i32, %arg1: memref<9728x128xi32, #tpu.memory_space<vmem>>, %arg2: memref<4832x512xf32, #tpu.memory_space<vmem>>, %arg3: memref<1x512xf32, #tpu.memory_space<vmem>>, %arg4: memref<512x256xf32, #tpu.memory_space<vmem>>, %arg5: memref<1x256xf32, #tpu.memory_space<vmem>>, %arg6: memref<256x128xf32, #tpu.memory_space<vmem>>, %arg7: memref<1x128xf32, #tpu.memory_space<vmem>>, %arg8: memref<512x128xf32, #tpu.memory_space<vmem>>, %arg9: memref<2432x512xbf16, #tpu.memory_space<vmem>>, %arg10: memref<2432x512xbf16, #tpu.memory_space<vmem>>) attributes {dimension_semantics = [#tpu.dimension_semantics<arbitrary>], iteration_bounds = array<i64: 8>, scalar_prefetch = 0 : i64, scratch_operands = 2 : i64, tpu.core_type = #tpu.core_type<tc>, window_params = [{transform_indices = @transform_0, window_bounds = array<i64: 9728, 128>}, {transform_indices = @transform_1, window_bounds = array<i64: 4832, 512>}, {pipeline_mode = #tpu.pipeline_mode<synchronous>, transform_indices = @transform_2, window_bounds = array<i64: 1, 512>}, {pipeline_mode = #tpu.pipeline_mode<synchronous>, transform_indices = @transform_3, window_bounds = array<i64: 512, 256>}, {pipeline_mode = #tpu.pipeline_mode<synchronous>, transform_indices = @transform_4, window_bounds = array<i64: 1, 256>}, {pipeline_mode = #tpu.pipeline_mode<synchronous>, transform_indices = @transform_5, window_bounds = array<i64: 256, 128>}, {pipeline_mode = #tpu.pipeline_mode<synchronous>, transform_indices = @transform_6, window_bounds = array<i64: 1, 128>}, {transform_indices = @transform_7, window_bounds = array<i64: 512, 128>}]} {
    %eq3A = arith.constant 0 : i32
    %eq3A_0 = arith.cmpi eq, %arg0, %eq3A : i32
    %convert_element_type3A = arith.extui %eq3A_0 : i1 to i32
    %cond3A = arith.constant 0 : i32
    %cond3A_1 = arith.cmpi ne, %convert_element_type3A, %cond3A : i32
    scf.if %cond3A_1 {
      %get3A_107 = arith.constant 0 : index
      %get3A_108 = arith.constant 0 : index
      %get3A_109 = vector.load %arg2[%get3A_107, %get3A_108] : memref<4832x512xf32, #tpu.memory_space<vmem>>, vector<4832x512xf32>
      %reshape3A_110 = vector.shape_cast %get3A_109 : vector<4832x512xf32> to vector<151x2x16x512xf32>
      %slice3A_111 = vector.extract_strided_slice %reshape3A_110 {offsets = [0, 0, 0, 0], sizes = [151, 1, 16, 512], strides = [1, 1, 1, 1]} : vector<151x2x16x512xf32> to vector<151x1x16x512xf32>
      %squeeze3A_112 = vector.shape_cast %slice3A_111 : vector<151x1x16x512xf32> to vector<151x16x512xf32>
      %reshape3A_113 = vector.shape_cast %squeeze3A_112 : vector<151x16x512xf32> to vector<2416x512xf32>
      %convert_element_type3A_114 = arith.truncf %reshape3A_113 : vector<2416x512xf32> to vector<2416x512xbf16>
      %swap3A_115 = arith.constant 0 : index
      %swap3A_116 = arith.constant 0 : index
      %swap3A_117 = vector.load %arg9[%swap3A_115, %swap3A_116] : memref<2432x512xbf16, #tpu.memory_space<vmem>>, vector<2416x512xbf16>
      tpu.vector_store %arg9[%swap3A_115, %swap3A_116], %convert_element_type3A_114 {strides = array<i32>} : memref<2432x512xbf16, #tpu.memory_space<vmem>>, vector<2416x512xbf16>,
      %slice3A_118 = vector.extract_strided_slice %reshape3A_110 {offsets = [0, 1, 0, 0], sizes = [151, 1, 16, 512], strides = [1, 1, 1, 1]} : vector<151x2x16x512xf32> to vector<151x1x16x512xf32>
      %squeeze3A_119 = vector.shape_cast %slice3A_118 : vector<151x1x16x512xf32> to vector<151x16x512xf32>
      %reshape3A_120 = vector.shape_cast %squeeze3A_119 : vector<151x16x512xf32> to vector<2416x512xf32>
      %convert_element_type3A_121 = arith.truncf %reshape3A_120 : vector<2416x512xf32> to vector<2416x512xbf16>
      %swap3A_122 = arith.constant 0 : index
      %swap3A_123 = arith.constant 0 : index
      %swap3A_124 = vector.load %arg10[%swap3A_122, %swap3A_123] : memref<2432x512xbf16, #tpu.memory_space<vmem>>, vector<2416x512xbf16>
      tpu.vector_store %arg10[%swap3A_122, %swap3A_123], %convert_element_type3A_121 {strides = array<i32>} : memref<2432x512xbf16, #tpu.memory_space<vmem>>, vector<2416x512xbf16>,
      %broadcast_in_dim3A = arith.constant 0.000000e+00 : bf16
      %broadcast_in_dim3A_125 = vector.broadcast %broadcast_in_dim3A : bf16 to vector<16x512xbf16>
      %swap3A_126 = arith.constant 2416 : index
      %swap3A_127 = arith.constant 0 : index
      %swap3A_128 = vector.load %arg9[%swap3A_126, %swap3A_127] : memref<2432x512xbf16, #tpu.memory_space<vmem>>, vector<16x512xbf16>
      tpu.vector_store %arg9[%swap3A_126, %swap3A_127], %broadcast_in_dim3A_125 {strides = array<i32>} : memref<2432x512xbf16, #tpu.memory_space<vmem>>, vector<16x512xbf16>,
      %swap3A_129 = arith.constant 2416 : index
      %swap3A_130 = arith.constant 0 : index
      %swap3A_131 = vector.load %arg10[%swap3A_129, %swap3A_130] : memref<2432x512xbf16, #tpu.memory_space<vmem>>, vector<16x512xbf16>
      tpu.vector_store %arg10[%swap3A_129, %swap3A_130], %broadcast_in_dim3A_125 {strides = array<i32>} : memref<2432x512xbf16, #tpu.memory_space<vmem>>, vector<16x512xbf16>,
    } else {
    }
    %get3A = arith.constant 0 : index
    %get3A_2 = arith.constant 0 : index
    %get3A_3 = vector.load %arg1[%get3A, %get3A_2] : memref<9728x128xi32, #tpu.memory_space<vmem>>, vector<9728x128xi32>
    %reshape3A = vector.shape_cast %get3A_3 : vector<9728x128xi32> to vector<64x19x8x128xi32>
    %slice3A = vector.extract_strided_slice %reshape3A {offsets = [0, 0, 0, 0], sizes = [64, 1, 8, 128], strides = [1, 1, 1, 1]} : vector<64x19x8x128xi32> to vector<64x1x8x128xi32>
    %squeeze3A = vector.shape_cast %slice3A : vector<64x1x8x128xi32> to vector<64x8x128xi32>
    %reshape3A_4 = vector.shape_cast %squeeze3A : vector<64x8x128xi32> to vector<512x128xi32>
    %slice3A_5 = vector.extract_strided_slice %reshape3A {offsets = [0, 1, 0, 0], sizes = [64, 1, 8, 128], strides = [1, 1, 1, 1]} : vector<64x19x8x128xi32> to vector<64x1x8x128xi32>
    %squeeze3A_6 = vector.shape_cast %slice3A_5 : vector<64x1x8x128xi32> to vector<64x8x128xi32>
    %reshape3A_7 = vector.shape_cast %squeeze3A_6 : vector<64x8x128xi32> to vector<512x128xi32>
    %slice3A_8 = vector.extract_strided_slice %reshape3A {offsets = [0, 2, 0, 0], sizes = [64, 1, 8, 128], strides = [1, 1, 1, 1]} : vector<64x19x8x128xi32> to vector<64x1x8x128xi32>
    %squeeze3A_9 = vector.shape_cast %slice3A_8 : vector<64x1x8x128xi32> to vector<64x8x128xi32>
    %reshape3A_10 = vector.shape_cast %squeeze3A_9 : vector<64x8x128xi32> to vector<512x128xi32>
    %slice3A_11 = vector.extract_strided_slice %reshape3A {offsets = [0, 3, 0, 0], sizes = [64, 1, 8, 128], strides = [1, 1, 1, 1]} : vector<64x19x8x128xi32> to vector<64x1x8x128xi32>
    %squeeze3A_12 = vector.shape_cast %slice3A_11 : vector<64x1x8x128xi32> to vector<64x8x128xi32>
    %reshape3A_13 = vector.shape_cast %squeeze3A_12 : vector<64x8x128xi32> to vector<512x128xi32>
    %slice3A_14 = vector.extract_strided_slice %reshape3A {offsets = [0, 4, 0, 0], sizes = [64, 1, 8, 128], strides = [1, 1, 1, 1]} : vector<64x19x8x128xi32> to vector<64x1x8x128xi32>
    %squeeze3A_15 = vector.shape_cast %slice3A_14 : vector<64x1x8x128xi32> to vector<64x8x128xi32>
    %reshape3A_16 = vector.shape_cast %squeeze3A_15 : vector<64x8x128xi32> to vector<512x128xi32>
    %slice3A_17 = vector.extract_strided_slice %reshape3A {offsets = [0, 5, 0, 0], sizes = [64, 1, 8, 128], strides = [1, 1, 1, 1]} : vector<64x19x8x128xi32> to vector<64x1x8x128xi32>
    %squeeze3A_18 = vector.shape_cast %slice3A_17 : vector<64x1x8x128xi32> to vector<64x8x128xi32>
    %reshape3A_19 = vector.shape_cast %squeeze3A_18 : vector<64x8x128xi32> to vector<512x128xi32>
    %slice3A_20 = vector.extract_strided_slice %reshape3A {offsets = [0, 6, 0, 0], sizes = [64, 1, 8, 128], strides = [1, 1, 1, 1]} : vector<64x19x8x128xi32> to vector<64x1x8x128xi32>
    %squeeze3A_21 = vector.shape_cast %slice3A_20 : vector<64x1x8x128xi32> to vector<64x8x128xi32>
    %reshape3A_22 = vector.shape_cast %squeeze3A_21 : vector<64x8x128xi32> to vector<512x128xi32>
    %slice3A_23 = vector.extract_strided_slice %reshape3A {offsets = [0, 7, 0, 0], sizes = [64, 1, 8, 128], strides = [1, 1, 1, 1]} : vector<64x19x8x128xi32> to vector<64x1x8x128xi32>
    %squeeze3A_24 = vector.shape_cast %slice3A_23 : vector<64x1x8x128xi32> to vector<64x8x128xi32>
    %reshape3A_25 = vector.shape_cast %squeeze3A_24 : vector<64x8x128xi32> to vector<512x128xi32>
    %slice3A_26 = vector.extract_strided_slice %reshape3A {offsets = [0, 8, 0, 0], sizes = [64, 1, 8, 128], strides = [1, 1, 1, 1]} : vector<64x19x8x128xi32> to vector<64x1x8x128xi32>
    %squeeze3A_27 = vector.shape_cast %slice3A_26 : vector<64x1x8x128xi32> to vector<64x8x128xi32>
    %reshape3A_28 = vector.shape_cast %squeeze3A_27 : vector<64x8x128xi32> to vector<512x128xi32>
    %slice3A_29 = vector.extract_strided_slice %reshape3A {offsets = [0, 9, 0, 0], sizes = [64, 1, 8, 128], strides = [1, 1, 1, 1]} : vector<64x19x8x128xi32> to vector<64x1x8x128xi32>
    %squeeze3A_30 = vector.shape_cast %slice3A_29 : vector<64x1x8x128xi32> to vector<64x8x128xi32>
    %reshape3A_31 = vector.shape_cast %squeeze3A_30 : vector<64x8x128xi32> to vector<512x128xi32>
    %slice3A_32 = vector.extract_strided_slice %reshape3A {offsets = [0, 10, 0, 0], sizes = [64, 1, 8, 128], strides = [1, 1, 1, 1]} : vector<64x19x8x128xi32> to vector<64x1x8x128xi32>
    %squeeze3A_33 = vector.shape_cast %slice3A_32 : vector<64x1x8x128xi32> to vector<64x8x128xi32>
    %reshape3A_34 = vector.shape_cast %squeeze3A_33 : vector<64x8x128xi32> to vector<512x128xi32>
    %slice3A_35 = vector.extract_strided_slice %reshape3A {offsets = [0, 11, 0, 0], sizes = [64, 1, 8, 128], strides = [1, 1, 1, 1]} : vector<64x19x8x128xi32> to vector<64x1x8x128xi32>
    %squeeze3A_36 = vector.shape_cast %slice3A_35 : vector<64x1x8x128xi32> to vector<64x8x128xi32>
    %reshape3A_37 = vector.shape_cast %squeeze3A_36 : vector<64x8x128xi32> to vector<512x128xi32>
    %slice3A_38 = vector.extract_strided_slice %reshape3A {offsets = [0, 12, 0, 0], sizes = [64, 1, 8, 128], strides = [1, 1, 1, 1]} : vector<64x19x8x128xi32> to vector<64x1x8x128xi32>
    %squeeze3A_39 = vector.shape_cast %slice3A_38 : vector<64x1x8x128xi32> to vector<64x8x128xi32>
    %reshape3A_40 = vector.shape_cast %squeeze3A_39 : vector<64x8x128xi32> to vector<512x128xi32>
    %slice3A_41 = vector.extract_strided_slice %reshape3A {offsets = [0, 13, 0, 0], sizes = [64, 1, 8, 128], strides = [1, 1, 1, 1]} : vector<64x19x8x128xi32> to vector<64x1x8x128xi32>
    %squeeze3A_42 = vector.shape_cast %slice3A_41 : vector<64x1x8x128xi32> to vector<64x8x128xi32>
    %reshape3A_43 = vector.shape_cast %squeeze3A_42 : vector<64x8x128xi32> to vector<512x128xi32>
    %slice3A_44 = vector.extract_strided_slice %reshape3A {offsets = [0, 14, 0, 0], sizes = [64, 1, 8, 128], strides = [1, 1, 1, 1]} : vector<64x19x8x128xi32> to vector<64x1x8x128xi32>
    %squeeze3A_45 = vector.shape_cast %slice3A_44 : vector<64x1x8x128xi32> to vector<64x8x128xi32>
    %reshape3A_46 = vector.shape_cast %squeeze3A_45 : vector<64x8x128xi32> to vector<512x128xi32>
    %slice3A_47 = vector.extract_strided_slice %reshape3A {offsets = [0, 15, 0, 0], sizes = [64, 1, 8, 128], strides = [1, 1, 1, 1]} : vector<64x19x8x128xi32> to vector<64x1x8x128xi32>
    %squeeze3A_48 = vector.shape_cast %slice3A_47 : vector<64x1x8x128xi32> to vector<64x8x128xi32>
    %reshape3A_49 = vector.shape_cast %squeeze3A_48 : vector<64x8x128xi32> to vector<512x128xi32>
    %slice3A_50 = vector.extract_strided_slice %reshape3A {offsets = [0, 16, 0, 0], sizes = [64, 1, 8, 128], strides = [1, 1, 1, 1]} : vector<64x19x8x128xi32> to vector<64x1x8x128xi32>
    %squeeze3A_51 = vector.shape_cast %slice3A_50 : vector<64x1x8x128xi32> to vector<64x8x128xi32>
    %reshape3A_52 = vector.shape_cast %squeeze3A_51 : vector<64x8x128xi32> to vector<512x128xi32>
    %slice3A_53 = vector.extract_strided_slice %reshape3A {offsets = [0, 17, 0, 0], sizes = [64, 1, 8, 128], strides = [1, 1, 1, 1]} : vector<64x19x8x128xi32> to vector<64x1x8x128xi32>
    %squeeze3A_54 = vector.shape_cast %slice3A_53 : vector<64x1x8x128xi32> to vector<64x8x128xi32>
    %reshape3A_55 = vector.shape_cast %squeeze3A_54 : vector<64x8x128xi32> to vector<512x128xi32>
    %slice3A_56 = vector.extract_strided_slice %reshape3A {offsets = [0, 18, 0, 0], sizes = [64, 1, 8, 128], strides = [1, 1, 1, 1]} : vector<64x19x8x128xi32> to vector<64x1x8x128xi32>
    %squeeze3A_57 = vector.shape_cast %slice3A_56 : vector<64x1x8x128xi32> to vector<64x8x128xi32>
    %reshape3A_58 = vector.shape_cast %squeeze3A_57 : vector<64x8x128xi32> to vector<512x128xi32>
    %concatenate3A = tpu.concatenate %reshape3A_4, %reshape3A_7, %reshape3A_10, %reshape3A_13, %reshape3A_16, %reshape3A_19, %reshape3A_22, %reshape3A_25, %reshape3A_28, %reshape3A_31, %reshape3A_34, %reshape3A_37, %reshape3A_40, %reshape3A_43, %reshape3A_46, %reshape3A_49, %reshape3A_52, %reshape3A_55, %reshape3A_58 in 1 : vector<512x128xi32>, vector<512x128xi32>, vector<512x128xi32>, vector<512x128xi32>, vector<512x128xi32>, vector<512x128xi32>, vector<512x128xi32>, vector<512x128xi32>, vector<512x128xi32>, vector<512x128xi32>, vector<512x128xi32>, vector<512x128xi32>, vector<512x128xi32>, vector<512x128xi32>, vector<512x128xi32>, vector<512x128xi32>, vector<512x128xi32>, vector<512x128xi32>, vector<512x128xi32> -> vector<512x2432xi32>
    %shift_left3A = arith.constant 16 : i32
    %shift_left3A_59 = vector.broadcast %shift_left3A : i32 to vector<512x2432xi32>
    %shift_left3A_60 = arith.shli %concatenate3A, %shift_left3A_59 : vector<512x2432xi32>
    %bitcast_convert_type3A = tpu.bitcast %shift_left3A_60 : vector<512x2432xi32> -> vector<512x2432xf32>
    %convert_element_type3A_61 = arith.truncf %bitcast_convert_type3A : vector<512x2432xf32> to vector<512x2432xbf16>
    %and3A = arith.constant -65536 : i32
    %and3A_62 = vector.broadcast %and3A : i32 to vector<512x2432xi32>
    %and3A_63 = arith.andi %concatenate3A, %and3A_62 : vector<512x2432xi32>
    %bitcast_convert_type3A_64 = tpu.bitcast %and3A_63 : vector<512x2432xi32> -> vector<512x2432xf32>
    %convert_element_type3A_65 = arith.truncf %bitcast_convert_type3A_64 : vector<512x2432xf32> to vector<512x2432xbf16>
    %get3A_66 = arith.constant 0 : index
    %get3A_67 = arith.constant 0 : index
    %get3A_68 = vector.load %arg9[%get3A_66, %get3A_67] : memref<2432x512xbf16, #tpu.memory_space<vmem>>, vector<2432x512xbf16>
    %dot_general3A = arith.constant dense<0.000000e+00> : vector<512x512xf32>
    %dot_general3A_69 = tpu.matmul %convert_element_type3A_61, %get3A_68, %dot_general3A {dimension_numbers = #tpu.dot_dimension_numbers<[1], [0], [0], [1], [0, 0, 1, 1], [], []>, transpose_lhs_hint = false} : vector<512x2432xbf16>, vector<2432x512xbf16>, vector<512x512xf32> -> vector<512x512xf32>
    %get3A_70 = arith.constant 0 : index
    %get3A_71 = arith.constant 0 : index
    %get3A_72 = vector.load %arg10[%get3A_70, %get3A_71] : memref<2432x512xbf16, #tpu.memory_space<vmem>>, vector<2432x512xbf16>
    %dot_general3A_73 = arith.constant dense<0.000000e+00> : vector<512x512xf32>
    %dot_general3A_74 = tpu.matmul %convert_element_type3A_65, %get3A_72, %dot_general3A_73 {dimension_numbers = #tpu.dot_dimension_numbers<[1], [0], [0], [1], [0, 0, 1, 1], [], []>, transpose_lhs_hint = false} : vector<512x2432xbf16>, vector<2432x512xbf16>, vector<512x512xf32> -> vector<512x512xf32>
    %add3A = arith.addf %dot_general3A_69, %dot_general3A_74 : vector<512x512xf32>
    %get3A_75 = arith.constant 0 : index
    %get3A_76 = arith.constant 0 : index
    %get3A_77 = vector.load %arg3[%get3A_75, %get3A_76] : memref<1x512xf32, #tpu.memory_space<vmem>>, vector<1x512xf32>
    %add3A_78 = vector.broadcast %get3A_77 : vector<1x512xf32> to vector<512x512xf32>
    %add3A_79 = arith.addf %add3A, %add3A_78 : vector<512x512xf32>
    %max3A = arith.constant 0.000000e+00 : f32
    %max3A_80 = vector.broadcast %max3A : f32 to vector<512x512xf32>
    %max3A_81 = arith.maximumf %add3A_79, %max3A_80 : vector<512x512xf32>
    %get3A_82 = arith.constant 0 : index
    %get3A_83 = arith.constant 0 : index
    %get3A_84 = vector.load %arg4[%get3A_82, %get3A_83] : memref<512x256xf32, #tpu.memory_space<vmem>>, vector<512x256xf32>
    %dot_general3A_85 = arith.constant dense<0.000000e+00> : vector<512x256xf32>
    %dot_general3A_86 = tpu.matmul %max3A_81, %get3A_84, %dot_general3A_85 {dimension_numbers = #tpu.dot_dimension_numbers<[1], [0], [0], [1], [0, 0, 1, 1], [], []>, transpose_lhs_hint = false} : vector<512x512xf32>, vector<512x256xf32>, vector<512x256xf32> -> vector<512x256xf32>
    %get3A_87 = arith.constant 0 : index
    %get3A_88 = arith.constant 0 : index
    %get3A_89 = vector.load %arg5[%get3A_87, %get3A_88] : memref<1x256xf32, #tpu.memory_space<vmem>>, vector<1x256xf32>
    %add3A_90 = vector.broadcast %get3A_89 : vector<1x256xf32> to vector<512x256xf32>
    %add3A_91 = arith.addf %dot_general3A_86, %add3A_90 : vector<512x256xf32>
    %max3A_92 = arith.constant 0.000000e+00 : f32
    %max3A_93 = vector.broadcast %max3A_92 : f32 to vector<512x256xf32>
    %max3A_94 = arith.maximumf %add3A_91, %max3A_93 : vector<512x256xf32>
    %get3A_95 = arith.constant 0 : index
    %get3A_96 = arith.constant 0 : index
    %get3A_97 = vector.load %arg6[%get3A_95, %get3A_96] : memref<256x128xf32, #tpu.memory_space<vmem>>, vector<256x128xf32>
    %dot_general3A_98 = arith.constant dense<0.000000e+00> : vector<512x128xf32>
    %dot_general3A_99 = tpu.matmul %max3A_94, %get3A_97, %dot_general3A_98 {dimension_numbers = #tpu.dot_dimension_numbers<[1], [0], [0], [1], [0, 0, 1, 1], [], []>, transpose_lhs_hint = false} : vector<512x256xf32>, vector<256x128xf32>, vector<512x128xf32> -> vector<512x128xf32>
    %get3A_100 = arith.constant 0 : index
    %get3A_101 = arith.constant 0 : index
    %get3A_102 = vector.load %arg7[%get3A_100, %get3A_101] : memref<1x128xf32, #tpu.memory_space<vmem>>, vector<1x128xf32>
    %add3A_103 = vector.broadcast %get3A_102 : vector<1x128xf32> to vector<512x128xf32>
    %add3A_104 = arith.addf %dot_general3A_99, %add3A_103 : vector<512x128xf32>
    %swap3A = arith.constant 0 : index
    %swap3A_105 = arith.constant 0 : index
    %swap3A_106 = vector.load %arg8[%swap3A, %swap3A_105] : memref<512x128xf32, #tpu.memory_space<vmem>>, vector<512x128xf32>
    tpu.vector_store %arg8[%swap3A, %swap3A_105], %add3A_104 {strides = array<i32>} : memref<512x128xf32, #tpu.memory_space<vmem>>, vector<512x128xf32>,
    return
  }
  func.func @transform_0(%arg0: i32) -> (i32, i32) {
    %c0_i32 = arith.constant 0 : i32
    %c0_i32_0 = arith.constant 0 : i32
    return %arg0, %c0_i32 : i32, i32
  }
  func.func @transform_1(%arg0: i32) -> (i32, i32) {
    %c0_i32 = arith.constant 0 : i32
    %c0_i32_0 = arith.constant 0 : i32
    %c0_i32_1 = arith.constant 0 : i32
    return %c0_i32, %c0_i32_0 : i32, i32
  }
  func.func @transform_2(%arg0: i32) -> (i32, i32) {
    %c0_i32 = arith.constant 0 : i32
    %c0_i32_0 = arith.constant 0 : i32
    %c0_i32_1 = arith.constant 0 : i32
    return %c0_i32, %c0_i32_0 : i32, i32
  }
  func.func @transform_3(%arg0: i32) -> (i32, i32) {
    %c0_i32 = arith.constant 0 : i32
    %c0_i32_0 = arith.constant 0 : i32
    %c0_i32_1 = arith.constant 0 : i32
    return %c0_i32, %c0_i32_0 : i32, i32
  }
  func.func @transform_4(%arg0: i32) -> (i32, i32) {
    %c0_i32 = arith.constant 0 : i32
    %c0_i32_0 = arith.constant 0 : i32
    %c0_i32_1 = arith.constant 0 : i32
    return %c0_i32, %c0_i32_0 : i32, i32
  }
  func.func @transform_5(%arg0: i32) -> (i32, i32) {
    %c0_i32 = arith.constant 0 : i32
    %c0_i32_0 = arith.constant 0 : i32
    %c0_i32_1 = arith.constant 0 : i32
    return %c0_i32, %c0_i32_0 : i32, i32
  }
  func.func @transform_6(%arg0: i32) -> (i32, i32) {
    %c0_i32 = arith.constant 0 : i32
    %c0_i32_0 = arith.constant 0 : i32
    %c0_i32_1 = arith.constant 0 : i32
    return %c0_i32, %c0_i32_0 : i32, i32
  }
  func.func @transform_7(%arg0: i32) -> (i32, i32) {
    %c0_i32 = arith.constant 0 : i32
    %c0_i32_0 = arith.constant 0 : i32
    return %arg0, %c0_i32 : i32, i32
  }
}

</mosaic_0001>

<sc_bundles>
// kernel: kernel.5.cloned.1.call-start
scs
__scs_entry_jumppad:
0x0: {  	(pc) =	sbr.rel $0x88, $3  }
0x1: {  	(tag) =	ssettag $0x0;
	lr =	simm.s32 $0x1  }
0x2: {  	[smem:$0x3F97] =	sst lr;
	_ =	strace $0xD0000000  }
0x3: {  	_ = 	snop  }
0x4: {  	_ = 	snop  }
0x5: {  	_ = 	snop  }
0x6: {  	_ = 	snop  }
0x7: {  	_ = 	snop  }
__scs_overlays_trampoline_lowered:
0x8: {  	[smem:$0x3FA6] =	sst s0  }
0x9: {  	[smem:$0x3FA7] =	sst s1  }
0xa: {  	[smem:$0x3FA8] =	sst s2  }
0xb: {  	[smem:$0x3FA9] =	sst s3  }
0xc: {  	[smem:$0x3FAA] =	sst s4  }
0xd: {  	[smem:$0x3FAB] =	sst s5  }
0xe: {  	[smem:$0x3FAC] =	sst s6  }
0xf: {  	[smem:$0x3FAD] =	sst s7  }
0x10: {  	[smem:$0x3FAE] =	sst s8  }
0x11: {  	[smem:$0x3FAF] =	sst s9;
	s0 =	simm.s32 @!p0 $0x0  }
0x12: {  	s1 =	sld [smem:$0x3F95];
	s0 =	simm.s32 @p0 $0x1  }
0x13: {  	[smem:$0x3FB0] =	sst s0;
	s0 =	simm.s32 @!p1 $0x0  }
0x14: {  	s2 =	sld [smem:$0x3F94];
	s0 =	simm.s32 @p1 $0x1  }
0x15: {  	[smem:$0x3FB1] =	sst s0;
	s0 =	simm.s32 @!p2 $0x0  }
0x16: {  	s3 =	sld [smem:$0x3FDB];
	s0 =	simm.s32 @p2 $0x1  }
0x17: {  	s4 =	simm.s32 $0x1BF5;
	[smem:$0x3FB3] =	sst s0  }
0x18: {  	s0 =	sld [smem:$0x3F96];
	_ =	swait.ge [sflag:s4], $0x0  }
0x19: {  	s7 =	sld [smem:$0x3F97]  }
0x1a: {  	s8 =	sadd.s32 $0xFFFFE003, lr  }
0x1b: {  	s9 =	sadd.s32 $0xFFFFFEF7, lr;
	s5 =	simm.s32 $0xFFFFFFFF;
	p2 =	slt.u32 s8, $0xFFFFF086  }
0x1c: {  	p1 =	slt.u32 s9, $0xF7A;
	s5 =	simm.s32 @!p2 $0x0  }
0x1d: {  	s5 =	simm.s32 @p1 $0x1;
	p0 =	seq.s32 s7, s2  }
0x1e: {  	s7 =	smul.u32 @!p0 $0xF7A, s2;
	p2 =	seq.s32 @!p0 s5, $0x0  }
0x1f: {  	s9 =	smul.u32 $0xF7A, s1;
	s8 =	simm.s32 @!p0 $0x1BF5;
	p2 =	por !p2, p0  }
0x20: {  	[sflag:s8] =	ssyncset.s32 @!p0 $0xFFFFF086;
	s6 =	sadd.s32 @!p0 s3, s7;
	s7 =	simm.s32 @!p0 $0x108  }
0x21: {  	s3 =	sadd.s32 s3, s9;
	s6 =	sadd.s32 @!p0 $0x88, s6;
	s7 =	simm.s32 @p2 $0x1082  }
0x22: {  	[simem:s7], [sflag:s8] =	dma.local @!p0 [hbm:s6], $0xF7A  }
0x23: {  	s9 =	sor.u32 $0xD0000000, s2;
	s6 =	simm.s32 $0x108;
	_ =	swait.ge @!p0 [sflag:s8], $0x0  }
0x24: {  	s3 =	sadd.s32 $0x88, s3;
	s6 =	simm.s32 @!p1 $0x1082;
	[sflag:s4] =	ssyncset.s32 $0xFFFFF086  }
0x25: {  	[simem:s6], [sflag:s4] =	dma.local [hbm:s3], $0xF7A  }
0x26: {  	[smem:$0x3F97] =	sst s1;
	(tag) =	ssettag s2;
	_ =	strace s9  }
0x27: {  	s1 =	sld [smem:$0x3FA7]  }
0x28: {  	s2 =	sld [smem:$0x3FA8]  }
0x29: {  	s4 =	sld [smem:$0x3FAA]  }
0x2a: {  	p0 =	seq.s32 s5, $0x0;
	s5 =	sld [smem:$0x3FAB]  }
0x2b: {  	s6 =	sld [smem:$0x3FAC]  }
0x2c: {  	s7 =	sld [smem:$0x3FAD]  }
0x2d: {  	s3 =	simm.s32 $0x108;
	s8 =	sld [smem:$0x3FAE]  }
0x2e: {  	s3 =	simm.s32 @!p0 $0x1082;
	s9 =	sld [smem:$0x3FAF]  }
0x2f: {  	lr =	sadd.s32 s0, s3;
	s0 =	sld [smem:$0x3FA6]  }
0x30: {  	s3 =	sld [smem:$0x3FA9]  }
0x31: {  	[smem:$0x3FB2] =	sst s10  }
0x32: {  	s10 =	sld [smem:$0x3FB0];
	_ =	sdelay $0x3  }
0x33: {  	p0 =	seq.s32 s10, $0x1;
	s10 =	sld [smem:$0x3FB2];
	_ =	sdelay $0x3  }
0x34: {  	[smem:$0x3FB2] =	sst s10  }
0x35: {  	s10 =	sld [smem:$0x3FB1];
	_ =	sdelay $0x3  }
0x36: {  	p1 =	seq.s32 s10, $0x1;
	s10 =	sld [smem:$0x3FB2];
	_ =	sdelay $0x3  }
0x37: {  	[smem:$0x3FB2] =	sst s10  }
0x38: {  	s10 =	sld [smem:$0x3FB3]  }
0x39: {  	_ = 	snop;
	(pc) =	sbr.ind lr, $3  }
0x3a: {  	_ = 	snop  }
0x3b: {  	_ = 	snop  }
0x3c: {  	p2 =	seq.s32 s10, $0x1;
	s10 =	sld [smem:$0x3FB2]  }
0x3d: {  	_ =	shalt  }
0x3e: {  	_ =	shalt  }
0x3f: {  	_ =	shalt  }
0x40: {  	_ =	shalt  }
0x41: {  	_ =	shalt  }
0x42: {  	_ =	shalt  }
0x43: {  	_ =	shalt  }
0x44: {  	_ =	shalt  }
0x45: {  	_ =	shalt  }
0x46: {  	_ =	shalt  }
0x47: {  	_ =	shalt  }
0x48: {  	_ =	shalt  }
0x49: {  	_ =	shalt  }
0x4a: {  	_ =	shalt  }
0x4b: {  	_ =	shalt  }
0x4c: {  	_ =	shalt  }
0x4d: {  	_ =	shalt  }
0x4e: {  	_ =	shalt  }
0x4f: {  	_ =	shalt  }
0x50: {  	_ =	shalt  }
0x51: {  	_ =	shalt  }
0x52: {  	_ =	shalt  }
0x53: {  	_ =	shalt  }
0x54: {  	_ =	shalt  }
0x55: {  	_ =	shalt  }
0x56: {  	_ =	shalt  }
0x57: {  	_ =	shalt  }
0x58: {  	_ =	shalt  }
0x59: {  	_ =	shalt  }
0x5a: {  	_ =	shalt  }
0x5b: {  	_ =	shalt  }
0x5c: {  	_ =	shalt  }
0x5d: {  	_ =	shalt  }
0x5e: {  	_ =	shalt  }
0x5f: {  	_ =	shalt  }
0x60: {  	_ =	shalt  }
0x61: {  	_ =	shalt  }
0x62: {  	_ =	shalt  }
0x63: {  	_ =	shalt  }
0x64: {  	_ =	shalt  }
0x65: {  	_ =	shalt  }
0x66: {  	_ =	shalt  }
0x67: {  	_ =	shalt  }
0x68: {  	_ =	shalt  }
0x69: {  	_ =	shalt  }
0x6a: {  	_ =	shalt  }
0x6b: {  	_ =	shalt  }
0x6c: {  	_ =	shalt  }
0x6d: {  	_ =	shalt  }
0x6e: {  	_ =	shalt  }
0x6f: {  	_ =	shalt  }
0x70: {  	_ =	shalt  }
0x71: {  	_ =	shalt  }
0x72: {  	_ =	shalt  }
0x73: {  	_ =	shalt  }
0x74: {  	_ =	shalt  }
0x75: {  	_ =	shalt  }
0x76: {  	_ =	shalt  }
0x77: {  	_ =	shalt  }
0x78: {  	_ =	shalt  }
0x79: {  	_ =	shalt  }
0x7a: {  	_ =	shalt  }
0x7b: {  	_ =	shalt  }
0x7c: {  	_ =	shalt  }
0x7d: {  	_ =	shalt  }
0x7e: {  	_ =	shalt  }
0x7f: {  	_ =	shalt  }
0x80: {  	_ =	shalt  }
0x81: {  	_ =	shalt  }
0x82: {  	_ =	shalt  }
0x83: {  	_ =	shalt  }
0x84: {  	_ =	shalt  }
0x85: {  	_ =	shalt  }
0x86: {  	_ =	shalt  }
0x87: {  	_ =	shalt  }
.Lfunc_end0:
.L_simem_size_0:
called_computation_lowered:
.L_overlay_start_0:
0x88: {  	s2 =	sld [smem:$0x3FD9]  }
0x89: {  	s3 =	sld [smem:$0x3FFE];
	_ =	sdelay $0x1  }
0x8a: {  	s1 =	srdreg.scid  }
0x8b: {  	s0 =	sand.u32 $0x1, s1  }
0x8c: {  	s17 =	sshll.u32 s0, $0xA;
	s2 =	sadd.s32 s3, s2  }
0x8d: {  	s2 =	sadd.s32 s2, s17  }
0x8e: {  	[smem:$0x3FBE] =	sst s2  }
0x8f: {  	_ = 	snop  }
0x90: {  	s2 =	sld [smem:$0x3FD0];
	(tm) =	ssettm $0x1  }
0x91: {  	s18 =	sld [smem:$0x3FFB];
	_ =	sdelay $0x3  }
0x92: {  	_ =	strace s18  }
0x93: {  	s3 =	sld [smem:$0x3FFC];
	_ =	sdelay $0x3  }
0x94: {  	_ =	strace s3  }
0x95: {  	s3 =	sld [smem:$0x3FFD];
	_ =	sdelay $0x3  }
0x96: {  	_ =	strace s3  }
0x97: {  	_ =	strace $0x8FFFFFFF  }
0x98: {  	s19 =	sld [smem:$0x3FDB];
	_ =	sdelay $0x1  }
0x99: {  	s4 =	simm.s32 $_scs_section_size  }
0x9a: {  	s5 =	simm.s32 $_size__tile_overlayer_lowered;
	s6 =	simm.s32 $_tile_overlayer_lowered  }
0x9b: {  	s22 =	simm.s32 $0x1BFF;
	s21 =	sshll.u32 s6, $0x1;
	s3 =	sadd.s32 s4, s19  }
0x9c: {  	s7 =	simm.s32 $0x0;
	s20 =	sshll.u32 s5, $0x1;
	s5 =	sadd.s32 s21, s3  }
0x9d: {  	[timem:s7], [sflag:s22] =	dma.local [hbm:s5], s20  }
0x9e: {  	_ =	swait.ge [sflag:s22], s20  }
0x9f: {  	s4 =	ssub.s32 $0x0, s20;
	[sflag:s22] =	ssyncset.done $0x0  }
0xa0: {  	[sflag:s22] =	ssyncadd.s32 s4;
	_ =	sdelay $0x1  }
0xa1: {  	s23 =	simm.s32 $0x1B8B  }
0xa2: {  	_ =	swait.ge [sflag:s23], $0x1  }
0xa3: {  	[sflag:s23] =	ssyncset.done $0x0  }
0xa4: {  	s25 =	simm.s32 $0x1B8E;
	s24 =	sld [smem:$0x3FFE];
	[sflag:s23] =	ssyncadd.s32 $0xFFFFFFFF  }
0xa5: {  	s26 =	simm.s32 $execute0_lowered;
	[smem:$0x3FD2] =	sst s25  }
0xa6: {  	s5 =	sshll.u32 s26, $0x1;
	_ =	strace $0x80000046;
	[dreg:$0x1] =	wrdreg $0xFFFFFFFF  }
0xa7: {  	s28 =	simm.s32 $_size_execute0_lowered;
	s3 =	sadd.s32 s3, s5;
	[dreg:$0x0] =	wrdreg $0x0  }
0xa8: {  	s5 =	sshll.u32 s28, $0x1;
	[dreg:$0x2] =	wrdreg s3  }
0xa9: {  	[dreg:$0x3] =	wrdreg s5  }
0xaa: {  	[dreg:$0x4] =	wrdreg $0xC0  }
0xab: {  	_ =	task [dreg:s7], $0x5FFFF  }
0xac: {  	[dreg:$0x1] =	wrdreg $0xFFFFFFFF  }
0xad: {  	[dreg:$0x0] =	wrdreg $0x60  }
0xae: {  	[dreg:$0x2] =	wrdreg s2  }
0xaf: {  	[dreg:$0x3] =	wrdreg s24  }
0xb0: {  	[dreg:$0x4] =	wrdreg $0x4C000  }
0xb1: {  	[dreg:$0x5] =	wrdreg $0x9  }
0xb2: {  	_ =	task.clear_ibuf [dreg:s7], $0x6FFFF;
	_ =	strace $0x90000046  }
0xb3: {  	s29 =	simm.s32 $0x9;
	_ =	strace $0x80000048  }
0xb4: {  	_ =	swait.ge [sflag:s29], $0x1  }
0xb5: {  	[sflag:s29] =	ssyncadd.s32 $0xFFFFFFFF  }
0xb6: {  	_ =	strace $0x90000048  }
0xb7: {  	_ =	sfence  }
0xb8: {  	s30 =	sld [smem:$0x0];
	_ =	sdelay $0x2  }
0xb9: {  	s31 =	sshll.u32 s1, $0xD;
	s1 =	sshrl.u32 s1, $0x2  }
0xba: {  	s3 =	sand.u32 $0x4000, s31;
	s1 =	sadd.s32 s1, s30  }
0xbb: {  	s0 =	sor.u32 s3, s0;
	s1 =	sshll.u32 s1, $0x11  }
0xbc: {  	s0 =	sor.u32 s1, s0  }
0xbd: {  	s0 =	sadd.s32 $0x8F2B, s0  }
0xbe: {  	[sflag:s0] =	ssyncadd.remote.s32 $0x1  }
0xbf: {  	_ =	sfence.sel $0xFFFF  }
0xc0: {  	[dreg:$0x0] =	wrdreg $0xFFFFFFFF;
	(pc) =	sbr.abs _section_cstart, $3  }
0xc1: {  	[dreg:$0x1] =	wrdreg $0xFFFFFFFF  }
0xc2: {  	_ =	task.clear_ibuf [dreg:s7], $0x2FFFF;
	_ =	strace $0x9FFFFFFF  }
0xc3: {  	(tm) =	ssettm $0x7FFFFFFF  }
tec
execute0_lowered:
.L_overlay_start_1:
0x0: {  	(tag) =	ssettag $0x1  }
0x1: {  	s0 =	rddreg [dreg:$0x1];
	s1 =	srdreg.scid  }
0x2: {  	s12 =	stileid.u32;
	s2 =	rddreg [dreg:$0x2];
	s3 =	simm.s32 $0x0  }
0x3: {  	s14 =	simm.s32 $0x5;
	s15 =	simm.s32 $0x80;
	s16 =	simm.s32 $0x4C60  }
0x4: {  	s17 =	simm.s32 $0x5460;
	s19 =	simm.s32 $0x5C60;
	s21 =	simm.s32 $0x6460  }
0x5: {  	s23 =	simm.s32 $0x6C60;
	s28 =	simm.s32 $0x7C60;
	s25 =	smul.u32 $0x9800, s12  }
0x6: {  	s30 =	simm.s32 $0x8460;
	s1 =	sand.u32 $0x1, s1;
	s26 =	smul.u32 $0x98000, s12  }
0x7: {  	s31 =	simm.s32 $0x1;
	s4 =	sshll.u32 s12, $0x1;
	s10 =	smul.u32 $0x4C00, s1  }
0x8: {  	s4 =	sor.u32 s1, s4;
	s6 =	ssub.s32 $0x2, s1;
	s1 =	smul.u32 $0x4C000, s1  }
0x9: {  	s22 =	simm.s32 $0x0;
	[smem:$0x7FF] =	sst s3;
	s5 =	smul.u32 $0x4C00, s4  }
0xa: {  	p0 =	sne.s32 s12, $0x0;
	_ =	strace $0x80000047;
	s7 =	smul.u32 $0x4C000, s4  }
0xb: {  	s8 =	sshrl.u32 s6, $0x1;
	s9 =	smul.u32 $0x9800, s4;
	s4 =	sadd.s32 $0x14C00, s0  }
0xc: {  	s24 =	ssub.s32 s6, s8;
	s10 =	sadd.s32 s10, s25;
	s25 =	simm.s32 $0x7460  }
0xd: {  	s5 =	sshrl.u32 s5, $0x3;
	s7 =	sshrl.u32 s7, $0x3;
	s11 =	sadd.s32 s4, s9  }
0xe: {  	s13 =	sshll.u32 s10, $0x1;
	s5 =	sadd.s32 s5, s0;
	s0 =	smax.u32 s24, $0x1  }
0xf: {  	s7 =	sadd.s32 s4, s7;
	s8 =	sadd.s32 $0x400, s11;
	s10 =	sadd.s32 $0x9400, s11  }
0x10: {  	s29 =	sadd.s32 s4, s13;
	s13 =	sshrl.u32 @!p0 s2, $0x3;
	s24 =	simm.s32 $0x2  }
0x11: {  	s5 =	sadd.s32 $0x1C00, s5;
	[dreg:$0x5] =	wrdreg s0;
	s9 =	sadd.s32 $0x9000, s7  }
0x12: {  	s0 =	sadd.s32 s1, s26;
	s20 =	sadd.s32 $0xC00, s29;
	s1 =	simm.s32 $0x3  }
0x13: {  	s26 =	simm.s32 $0x4;
	[dreg:$0x4] =	wrdreg s5;
	s11 =	sadd.s32 $0x4000, s0  }
.LBB2_1:
0x14: {  	s0 =	simm.s32 @!p0 $0x1C05;
	s5 =	rddreg [dreg:$0x0]  }
0x15: {  	[spmem:s13], [sflag:s0] =	dma.local @!p0 [hbm:s5], $0xC0  }
0x16: {  	s0 =	simm.s32 @!p0 $0x5  }
0x17: {  	_ =	swait.ge @!p0 [sflag:s0], $0xC0  }
0x18: {  	[sflag:s0] =	ssyncset.done @!p0 $0x0  }
0x19: {  	[sflag:s0] =	ssyncadd.s32 @!p0 $0xFFFFFF40  }
0x1a: {  	[bflag:$0x0] =	sbarrier.arrive $0xFFFF  }
0x1b: {  	s5 =	rddreg [dreg:$0x4]  }
0x1c: {  	[tilespmem:s3], [sflag:$0x5] =	stream.linear.gather [hbm4b:s5+s3], $0x4C00, $0x38;
	[tilespmem:$0x8C60] =	vst v63  }
0x1d: {  	_ =	swait.ge [sflag:s14], $0x4C00  }
0x1e: {  	[sflag:s14] =	ssyncset.done $0x0  }
0x1f: {  	[sflag:s14] =	ssyncadd.s32 $0xFFFFB400  }
0x20: {  	[tilespmem:s16], [sflag:$0x1] =	stream.indirect.gather [spmem:s2], $0x10, s3, s15, $0xb8;
	[tilespmem:$0x8C60] =	vst v63  }
0x21: {  	_ = 	snop  }
0x22: {  	[tilespmem:s17], [sflag:$0x1] =	stream.indirect.gather [spmem:s2], $0x10, s15, s15, $0xb8;
	[tilespmem:$0x8C60] =	vst v63  }
0x23: {  	s6 =	simm.s32 $0x100  }
0x24: {  	[tilespmem:s19], [sflag:$0x1] =	stream.indirect.gather [spmem:s2], $0x10, s6, s15, $0xb8;
	[tilespmem:$0x8C60] =	vst v63  }
0x25: {  	s12 =	simm.s32 $0x180  }
0x26: {  	[tilespmem:s21], [sflag:$0x1] =	stream.indirect.gather [spmem:s2], $0x10, s12, s15, $0xb8;
	[tilespmem:$0x8C60] =	vst v63  }
0x27: {  	s18 =	simm.s32 $0x200  }
0x28: {  	[tilespmem:s23], [sflag:$0x2] =	stream.indirect.gather [spmem:s2], $0x10, s18, s15, $0xb8;
	[tilespmem:$0x8C60] =	vst v63  }
0x29: {  	s5 =	simm.s32 $0x280  }
0x2a: {  	[tilespmem:s25], [sflag:$0x2] =	stream.indirect.gather [spmem:s2], $0x10, s5, s15, $0xb8;
	[tilespmem:$0x8C60] =	vst v63  }
0x2b: {  	s6 =	simm.s32 $0x300  }
0x2c: {  	[tilespmem:s28], [sflag:$0x2] =	stream.indirect.gather [spmem:s2], $0x10, s6, s15, $0xb8;
	[tilespmem:$0x8C60] =	vst v63  }
0x2d: {  	s12 =	simm.s32 $0x380  }
0x2e: {  	[tilespmem:s30], [sflag:$0x2] =	stream.indirect.gather [spmem:s2], $0x10, s12, s15, $0xb8;
	[tilespmem:$0x8C60] =	vst v63  }
0x2f: {  	_ =	swait.ge [sflag:s31], $0x2000  }
0x30: {  	[sflag:s31] =	ssyncset.done $0x0  }
0x31: {  	[sflag:s31] =	ssyncadd.s32 $0xFFFFE000  }
0x32: {  	[hbm4b:s7+s3] =	stream.linear.scatter [tilespmem:s16], [sflag:$0x3], $0x2000, $0x38;
	[tilespmem:$0x8C60] =	vst v63  }
0x33: {  	_ =	swait.ge [sflag:s1], $0x2000  }
0x34: {  	[sflag:s1] =	ssyncset.done $0x0  }
0x35: {  	s18 =	simm.s32 $0x400;
	[sflag:s1] =	ssyncadd.s32 $0xFFFFE000  }
0x36: {  	[tilespmem:s16], [sflag:$0x1] =	stream.indirect.gather [spmem:s2], $0x10, s18, s15, $0xb8;
	[tilespmem:$0x8C60] =	vst v63  }
0x37: {  	s5 =	simm.s32 $0x480  }
0x38: {  	[tilespmem:s17], [sflag:$0x1] =	stream.indirect.gather [spmem:s2], $0x10, s5, s15, $0xb8;
	[tilespmem:$0x8C60] =	vst v63  }
0x39: {  	s6 =	simm.s32 $0x500  }
0x3a: {  	[tilespmem:s19], [sflag:$0x1] =	stream.indirect.gather [spmem:s2], $0x10, s6, s15, $0xb8;
	[tilespmem:$0x8C60] =	vst v63  }
0x3b: {  	s12 =	simm.s32 $0x580  }
0x3c: {  	[tilespmem:s21], [sflag:$0x1] =	stream.indirect.gather [spmem:s2], $0x10, s12, s15, $0xb8;
	[tilespmem:$0x8C60] =	vst v63  }
0x3d: {  	_ =	swait.ge [sflag:s24], $0x2000  }
0x3e: {  	[sflag:s24] =	ssyncset.done $0x0  }
0x3f: {  	[sflag:s24] =	ssyncadd.s32 $0xFFFFE000  }
0x40: {  	[hbm4b:s8+s3] =	stream.linear.scatter [tilespmem:s23], [sflag:$0x4], $0x2000, $0x38;
	[tilespmem:$0x8C60] =	vst v63  }
0x41: {  	_ =	swait.ge [sflag:s26], $0x2000  }
0x42: {  	[sflag:s26] =	ssyncset.done $0x0  }
0x43: {  	s18 =	simm.s32 $0x600;
	[sflag:s26] =	ssyncadd.s32 $0xFFFFE000  }
0x44: {  	[tilespmem:s23], [sflag:$0x2] =	stream.indirect.gather [spmem:s2], $0x10, s18, s15, $0xb8;
	[tilespmem:$0x8C60] =	vst v63  }
0x45: {  	s5 =	simm.s32 $0x680  }
0x46: {  	[tilespmem:s25], [sflag:$0x2] =	stream.indirect.gather [spmem:s2], $0x10, s5, s15, $0xb8;
	[tilespmem:$0x8C60] =	vst v63  }
0x47: {  	s6 =	simm.s32 $0x700  }
0x48: {  	[tilespmem:s28], [sflag:$0x2] =	stream.indirect.gather [spmem:s2], $0x10, s6, s15, $0xb8;
	[tilespmem:$0x8C60] =	vst v63  }
0x49: {  	s12 =	simm.s32 $0x780  }
0x4a: {  	[tilespmem:s30], [sflag:$0x2] =	stream.indirect.gather [spmem:s2], $0x10, s12, s15, $0xb8;
	[tilespmem:$0x8C60] =	vst v63  }
0x4b: {  	_ =	swait.ge [sflag:s31], $0x2000  }
0x4c: {  	s18 =	sshrl.u32 s11, $0x3;
	[sflag:s31] =	ssyncset.done $0x0  }
0x4d: {  	s0 =	sadd.s32 s4, s18;
	[sflag:s31] =	ssyncadd.s32 $0xFFFFE000  }
0x4e: {  	[hbm4b:s0+s3] =	stream.linear.scatter [tilespmem:s16], [sflag:$0x3], $0x2000, $0x38;
	[tilespmem:$0x8C60] =	vst v63  }
0x4f: {  	_ =	swait.ge [sflag:s1], $0x2000  }
0x50: {  	[sflag:s1] =	ssyncset.done $0x0  }
0x51: {  	s5 =	simm.s32 $0x800;
	[sflag:s1] =	ssyncadd.s32 $0xFFFFE000  }
0x52: {  	[tilespmem:s16], [sflag:$0x1] =	stream.indirect.gather [spmem:s2], $0x10, s5, s15, $0xb8;
	[tilespmem:$0x8C60] =	vst v63  }
0x53: {  	s6 =	simm.s32 $0x880  }
0x54: {  	[tilespmem:s17], [sflag:$0x1] =	stream.indirect.gather [spmem:s2], $0x10, s6, s15, $0xb8;
	[tilespmem:$0x8C60] =	vst v63  }
0x55: {  	s12 =	simm.s32 $0x900  }
0x56: {  	[tilespmem:s19], [sflag:$0x1] =	stream.indirect.gather [spmem:s2], $0x10, s12, s15, $0xb8;
	[tilespmem:$0x8C60] =	vst v63  }
0x57: {  	s18 =	simm.s32 $0x980  }
0x58: {  	[tilespmem:s21], [sflag:$0x1] =	stream.indirect.gather [spmem:s2], $0x10, s18, s15, $0xb8;
	[tilespmem:$0x8C60] =	vst v63  }
0x59: {  	_ =	swait.ge [sflag:s24], $0x2000  }
0x5a: {  	s29 =	simm.s32 $0x1000;
	s0 =	sadd.s32 $0x4000, s11;
	[sflag:s24] =	ssyncset.done $0x0  }
0x5b: {  	s12 =	smov.u32 s20;
	s18 =	sadd.s32 $0x800, s20;
	[sflag:s24] =	ssyncadd.s32 $0xFFFFE000  }
.LBB2_2:
0x5c: {  	[hbm4b:s12+s3] =	stream.linear.scatter [tilespmem:s23], [sflag:$0x4], $0x2000, $0x38;
	[tilespmem:$0x8C60] =	vst v63  }
0x5d: {  	s5 =	smov.u32 s29;
	s12 =	smov.u32 s18  }
0x5e: {  	p1 =	sne.s32 s29, $0x10000;
	s29 =	sadd.s32 $0x1000, s29;
	_ =	swait.ge [sflag:s26], $0x2000  }
0x5f: {  	s5 =	sshra.s32 s5, $0x2;
	[sflag:s26] =	ssyncset.done $0x0  }
0x60: {  	s6 =	sadd.s32 $0x600, s5;
	[sflag:s26] =	ssyncadd.s32 $0xFFFFE000  }
0x61: {  	[tilespmem:s23], [sflag:$0x2] =	stream.indirect.gather [spmem:s2], $0x10, s6, s15, $0xb8;
	[tilespmem:$0x8C60] =	vst v63  }
0x62: {  	s6 =	sadd.s32 $0x680, s5  }
0x63: {  	[tilespmem:s25], [sflag:$0x2] =	stream.indirect.gather [spmem:s2], $0x10, s6, s15, $0xb8;
	[tilespmem:$0x8C60] =	vst v63  }
0x64: {  	s6 =	sadd.s32 $0x700, s5  }
0x65: {  	[tilespmem:s28], [sflag:$0x2] =	stream.indirect.gather [spmem:s2], $0x10, s6, s15, $0xb8;
	[tilespmem:$0x8C60] =	vst v63  }
0x66: {  	s6 =	sadd.s32 $0x780, s5  }
0x67: {  	[tilespmem:s30], [sflag:$0x2] =	stream.indirect.gather [spmem:s2], $0x10, s6, s15, $0xb8;
	[tilespmem:$0x8C60] =	vst v63  }
0x68: {  	_ =	swait.ge [sflag:s31], $0x2000  }
0x69: {  	s6 =	sshrl.u32 s0, $0x3;
	[sflag:s31] =	ssyncset.done $0x0  }
0x6a: {  	s6 =	sadd.s32 s4, s6;
	[sflag:s31] =	ssyncadd.s32 $0xFFFFE000  }
0x6b: {  	[hbm4b:s6+s3] =	stream.linear.scatter [tilespmem:s16], [sflag:$0x3], $0x2000, $0x38;
	[tilespmem:$0x8C60] =	vst v63  }
0x6c: {  	_ =	swait.ge [sflag:s1], $0x2000  }
0x6d: {  	[sflag:s1] =	ssyncset.done $0x0  }
0x6e: {  	s6 =	sadd.s32 $0x800, s5;
	[sflag:s1] =	ssyncadd.s32 $0xFFFFE000  }
0x6f: {  	[tilespmem:s16], [sflag:$0x1] =	stream.indirect.gather [spmem:s2], $0x10, s6, s15, $0xb8;
	[tilespmem:$0x8C60] =	vst v63  }
0x70: {  	s6 =	sadd.s32 $0x880, s5  }
0x71: {  	[tilespmem:s17], [sflag:$0x1] =	stream.indirect.gather [spmem:s2], $0x10, s6, s15, $0xb8;
	[tilespmem:$0x8C60] =	vst v63  }
0x72: {  	s6 =	sadd.s32 $0x900, s5  }
0x73: {  	[tilespmem:s19], [sflag:$0x1] =	stream.indirect.gather [spmem:s2], $0x10, s6, s15, $0xb8;
	[tilespmem:$0x8C60] =	vst v63  }
.Ltmp0:
0x74: {  	s5 =	sadd.s32 $0x980, s5;
	(pc) =	sbr.rel @p1 .LBB2_2-.Ltmp0, $4  }
0x75: {  	[tilespmem:s21], [sflag:$0x1] =	stream.indirect.gather [spmem:s2], $0x10, s5, s15, $0xb8;
	[tilespmem:$0x8C60] =	vst v63  }
0x76: {  	_ =	swait.ge [sflag:s24], $0x2000  }
0x77: {  	[sflag:s24] =	ssyncset.done $0x0  }
0x78: {  	s18 =	sadd.s32 $0x800, s18;
	s0 =	sadd.s32 $0x4000, s0;
	[sflag:s24] =	ssyncadd.s32 $0xFFFFE000  }
0x79: {  	[hbm4b:s12+s3] =	stream.linear.scatter [tilespmem:s23], [sflag:$0x4], $0x2000, $0x38;
	[tilespmem:$0x8C60] =	vst v63  }
0x7a: {  	_ =	swait.ge [sflag:s26], $0x2000  }
0x7b: {  	[sflag:s26] =	ssyncset.done $0x0  }
0x7c: {  	s0 =	simm.s32 $0x4A00;
	[sflag:s26] =	ssyncadd.s32 $0xFFFFE000  }
0x7d: {  	[tilespmem:s23], [sflag:$0x2] =	stream.indirect.gather [spmem:s2], $0x10, s0, s15, $0xb8;
	[tilespmem:$0x8C60] =	vst v63  }
0x7e: {  	s6 =	simm.s32 $0x4A80  }
0x7f: {  	[tilespmem:s25], [sflag:$0x2] =	stream.indirect.gather [spmem:s2], $0x10, s6, s15, $0xb8;
	[tilespmem:$0x8C60] =	vst v63  }
0x80: {  	s12 =	simm.s32 $0x4B00  }
0x81: {  	[tilespmem:s28], [sflag:$0x2] =	stream.indirect.gather [spmem:s2], $0x10, s12, s15, $0xb8;
	[tilespmem:$0x8C60] =	vst v63  }
0x82: {  	s18 =	simm.s32 $0x4B80  }
0x83: {  	[tilespmem:s30], [sflag:$0x2] =	stream.indirect.gather [spmem:s2], $0x10, s18, s15, $0xb8;
	[tilespmem:$0x8C60] =	vst v63  }
0x84: {  	_ =	swait.ge [sflag:s31], $0x2000  }
0x85: {  	[sflag:s31] =	ssyncset.done $0x0  }
0x86: {  	[sflag:s31] =	ssyncadd.s32 $0xFFFFE000  }
0x87: {  	[hbm4b:s9+s3] =	stream.linear.scatter [tilespmem:s16], [sflag:$0x3], $0x2000, $0x38;
	[tilespmem:$0x8C60] =	vst v63  }
0x88: {  	_ =	swait.ge [sflag:s24], $0x2000  }
0x89: {  	[sflag:s24] =	ssyncset.done $0x0  }
0x8a: {  	[sflag:s24] =	ssyncadd.s32 $0xFFFFE000  }
0x8b: {  	[hbm4b:s10+s3] =	stream.linear.scatter [tilespmem:s23], [sflag:$0x4], $0x2000, $0x38;
	[tilespmem:$0x8C60] =	vst v63  }
0x8c: {  	_ =	swait.ge [sflag:s1], $0x2000  }
0x8d: {  	[sflag:s1] =	ssyncset.done $0x0  }
0x8e: {  	[sflag:s1] =	ssyncadd.s32 $0xFFFFE000  }
0x8f: {  	_ =	swait.ge [sflag:s26], $0x2000  }
0x90: {  	s22 =	sadd.s32 $0x1, s22;
	s29 =	rddreg [dreg:$0x5]  }
0x91: {  	p1 =	sne.s32 s22, s29  }
.Ltmp1:
0x92: {  	_ = 	snop;
	(pc) =	sbr.rel @p1 .LBB2_1-.Ltmp1, $3  }
0x93: {  	_ =	sdelay $0x1  }
0x94: {  	[sflag:s26] =	ssyncset.done $0x0  }
0x95: {  	[sflag:s26] =	ssyncadd.s32 $0xFFFFE000  }
0x96: {  	_ =	sfence.sel $0x180000  }
0x97: {  	[bflag:$0x0] =	sbarrier.arrive $0xFFFF  }
0x98: {  	_ =	strace $0x90000047  }
0x99: {  	[bflag:$0x2] =	sbarrier.arrive $0xFFFF  }
0x9a: {  	s0 =	rddreg [dreg:$0x3]  }
0x9b: {  	s0 =	sadd.s32 @!p0 $0x100000, s0  }
0x9c: {  	[sflag:s0] =	ssyncadd.tile.s32 @!p0 $0x1;
	_ =	shalt  }
.Lfunc_end2:
_tile_overlayer_lowered:
.L_overlay_start_2:
0x9d: {  	(tag) =	ssettag $0x2  }
0x9e: {  	s0 =	rddreg [dreg:$0x0];
	s2 =	stileid.u32  }
0x9f: {  	s1 =	rddreg [dreg:$0x1];
	p0 =	sne.s32 s2, $0x0  }
0xa0: {  	s3 =	rddreg [dreg:$0x2];
	[bflag:$0x3] =	sbarrier.arrive $0xFFFF;
	s2 =	simm.s32 @!p0 $0x1C05  }
0xa1: {  	[timem:s3], [sflag:s2] =	dma.local @!p0 [hbm:s0], s1  }
0xa2: {  	s0 =	simm.s32 @!p0 $0x5  }
0xa3: {  	_ =	swait.ge @!p0 [sflag:s0], s1  }
0xa4: {  	s1 =	ssub.s32 @!p0 $0x0, s1;
	[sflag:s0] =	ssyncset.done @!p0 $0x0  }
0xa5: {  	[sflag:s0] =	ssyncadd.s32 @!p0 s1  }
0xa6: {  	[bflag:$0x3] =	sbarrier.arrive $0xFFFF  }
0xa7: {  	_ =	shalt  }

</sc_bundles>
